<compile_context>
chip_gen: v7x
topology: tpu7x:2x2x1
jax: 0.10.2.dev20260603
libtpu: 0.0.44.dev20260713+nightly
codegen_flags: <defaults>
</compile_context>

<pallas_src>
import functools

import jax
import jax.numpy as jnp
from jax import lax
from jax.experimental import pallas as pl
from jax.experimental.pallas import tpu as pltpu
from jax.experimental.pallas import tpu_sc as plsc

BETA_C = 0.8
LN_C = 0.1
LP_C = 1.0

NC, NS, L = 2, 16, 16
NW = NC * NS
N_TOT = 32 * 512 * 512
COLS = 512
ROWS = N_TOT // COLS

TBR = 512
TROWS = 8704
TB = TROWS // TBR

SROWS = ROWS - TROWS
R_PER = SROWS // NW
CROWS = 24
NCHUNK = R_PER // CROWS
CSLICES = COLS // L
U = 8

_mesh = plsc.VectorSubcoreMesh(core_axis_name="c", subcore_axis_name="s")


@functools.partial(
    pl.kernel,
    out_type=jax.ShapeDtypeStruct((NW * 8 * L,), jnp.float32),
    mesh=_mesh,
    scratch_types=[
        pltpu.VMEM((CROWS, COLS), jnp.float32),
        pltpu.VMEM((CROWS, COLS), jnp.float32),
        pltpu.VMEM((CROWS, COLS), jnp.int32),
        pltpu.VMEM((CROWS, COLS), jnp.int32),
        pltpu.VMEM((8 * L,), jnp.float32),
        pltpu.SemaphoreType.DMA,
        pltpu.SemaphoreType.DMA,
        pltpu.SemaphoreType.DMA,
        pltpu.SemaphoreType.DMA,
    ],
)
def _sc_sums(r_hbm, lab_hbm, out_hbm,
             rbuf0, rbuf1, labbuf0, labbuf1, accbuf,
             sr0, sr1, sl0, sl1):
    wid = lax.axis_index("s") * NC + lax.axis_index("c")
    base = TROWS + wid * R_PER
    zero = jnp.zeros((L,), jnp.float32)
    rbufs, labbufs = (rbuf0, rbuf1), (labbuf0, labbuf1)
    rsems, lsems = (sr0, sr1), (sl0, sl1)

    def issue(c, b):
        pltpu.async_copy(r_hbm.at[pl.ds(base + c * CROWS, CROWS)],
                         rbufs[b], rsems[b])
        pltpu.async_copy(lab_hbm.at[pl.ds(base + c * CROWS, CROWS)],
                         labbufs[b], lsems[b])

    issue(0, 0)
    issue(1, 1)

    def compute(b, accs):
        rbuf, labbuf = rbufs[b], labbufs[b]

        def row_body(i, accs):
            def col_body(j, accs):
                np_, sp, qp, s, q = accs
                for u in range(U):
                    off = j * (U * L) + u * L
                    r = rbuf[i, pl.ds(off, L)]
                    labf = labbuf[i, pl.ds(off, L)].astype(jnp.float32)
                    r2 = r * r
                    np_ = np_ + labf
                    sp = sp + r * labf
                    qp = qp + r2 * labf
                    s = s + r
                    q = q + r2
                return (np_, sp, qp, s, q)

            return lax.fori_loop(0, CSLICES // U, col_body, accs)

        return lax.fori_loop(0, CROWS, row_body, accs)

    def wait(b):
        pltpu.make_async_copy(r_hbm.at[pl.ds(0, CROWS)], rbufs[b],
                              rsems[b]).wait()
        pltpu.make_async_copy(lab_hbm.at[pl.ds(0, CROWS)], labbufs[b],
                              lsems[b]).wait()

    def pair_body(g, accs):
        for b in range(2):
            wait(b)

            @pl.when(2 * g + b + 2 < NCHUNK)
            def _():
                issue(2 * g + b + 2, b)

            accs = compute(b, accs)
        return accs

    np_, sp, qp, s, q = lax.fori_loop(
        0, NCHUNK // 2, pair_body, (zero, zero, zero, zero, zero))

    for idx, v in enumerate((np_, sp, qp, s, q, zero, zero, zero)):
        accbuf[pl.ds(idx * L, L)] = v
    pltpu.sync_copy(accbuf, out_hbm.at[pl.ds(wid * 8 * L, 8 * L)])


def _tc_sums_body(r_ref, lab_ref, o_ref):
    i = pl.program_id(0)
    z = jnp.zeros((8, COLS), jnp.float32)
    TR = 64

    def body(j, accs):
        np_, sp, qp, s, q = accs
        r = r_ref[pl.ds(j * TR, TR), :]
        labf = lab_ref[pl.ds(j * TR, TR), :].astype(jnp.float32)
        r2 = r * r
        rl = r * labf
        r2l = rl * rl
        for k in range(TR // 8):
            sl = slice(k * 8, (k + 1) * 8)
            np_ = np_ + labf[sl]
            sp = sp + rl[sl]
            qp = qp + r2l[sl]
            s = s + r[sl]
            q = q + r2[sl]
        return (np_, sp, qp, s, q)

    np_, sp, qp, s, q = lax.fori_loop(0, TBR // TR, body, (z, z, z, z, z))
    acc = jnp.concatenate([np_, sp, qp, s, q], axis=0)

    @pl.when(i == 0)
    def _():
        o_ref[...] = acc

    @pl.when(i > 0)
    def _():
        o_ref[...] = o_ref[...] + acc


_tc_sums = pl.pallas_call(
    _tc_sums_body,
    grid=(TB,),
    in_specs=[
        pl.BlockSpec((TBR, COLS), lambda i: (i, 0)),
        pl.BlockSpec((TBR, COLS), lambda i: (i, 0)),
    ],
    out_specs=pl.BlockSpec((40, COLS), lambda i: (0, 0)),
    out_shape=jax.ShapeDtypeStruct((40, COLS), jnp.float32),
)


def _loss_body(sc_ref, tc_ref, o_ref):
    x = sc_ref[...]
    t = jnp.sum(x, axis=0, keepdims=True)
    grp = lax.broadcasted_iota(jnp.int32, (1, 8 * L), 1) // L
    y = tc_ref[...]
    qgrp = lax.broadcasted_iota(jnp.int32, (40, COLS), 0) // 8

    def gsum(qn):
        return (jnp.sum(jnp.where(grp == qn, t, 0.0))
                + jnp.sum(jnp.where(qgrp == qn, y, 0.0)))

    np_, sp, qp, s, q = gsum(0), gsum(1), gsum(2), gsum(3), gsum(4)
    nn = jnp.float32(N_TOT) - np_
    mean_pos = sp / np_
    mean_neg = (s - sp) / nn
    var_pos = (qp - sp * mean_pos) / (np_ - 1.0)
    var_neg = ((q - qp) - (s - sp) * mean_neg) / (nn - 1.0)
    loss = (jnp.maximum(BETA_C - mean_pos, 0.0)
            + LN_C * var_pos + mean_neg + LP_C * var_neg)
    o_ref[...] = jnp.full((1, 1), loss, jnp.float32)


_finalize = pl.pallas_call(
    _loss_body,
    out_shape=jax.ShapeDtypeStruct((1, 1), jnp.float32),
)


def kernel(residues, pixel_level_labels):
    r = residues.reshape(ROWS, COLS)
    lab = pixel_level_labels.reshape(ROWS, COLS)
    parts_sc = _sc_sums(r, lab)
    parts_tc = _tc_sums(r, lab)
    out = _finalize(parts_sc.reshape(NW, 8 * L), parts_tc)
    return out.reshape(1)

# --- scband reference (transcript-rebuilt; emitter-appended) ---
"""Pipeline reference for scband-ttest-loss-v3-2697239462057 (READ-ONLY COPY).

The authoritative reference and input builder live on the scoring server;
editing this copy changes nothing except your own understanding.
"""

import jax, jax.numpy as jnp
import numpy as np

BETA = 0.8
LAMBDA_P = 1.0
LAMBDA_N = 0.1


def setup_inputs(seed: int = 0) -> dict:
    key = jax.random.key(seed)
    k1, k2 = jax.random.split(key)
    residues = jax.random.uniform(k1, (32, 1, 512, 512), dtype=jnp.float32)
    pixel_level_labels = jax.random.randint(k2, (32, 1, 512, 512), 0, 2, dtype=jnp.int32)
    return {"residues": residues, "pixel_level_labels": pixel_level_labels}


def reference(residues, pixel_level_labels):
    labels = pixel_level_labels.astype(jnp.float32)
    if labels.ndim == 3:
        labels = labels[:, None, :, :]
    assert residues.shape == labels.shape
    r = residues.reshape(-1)
    pos = labels.reshape(-1)
    neg = 1.0 - pos
    n_pos = pos.sum()
    n_neg = neg.sum()
    # masked means (equivalent to torch.masked_select(...).mean())
    mean_pos = (r * pos).sum() / n_pos
    mean_neg = (r * neg).sum() / n_neg
    # unbiased variances over masked elements (torch .var() default unbiased=True)
    var_pos = (pos * (r - mean_pos) ** 2).sum() / (n_pos - 1.0)
    var_neg = (neg * (r - mean_neg) ** 2).sum() / (n_neg - 1.0)
    loss = jnp.maximum(BETA - mean_pos, 0.0)
    loss = loss + LAMBDA_N * var_pos
    loss = loss + mean_neg
    loss = loss + LAMBDA_P * var_neg
    return jnp.reshape(loss, (1,))

if __name__ == "__main__":
    import jax
    _d = setup_inputs()
    print(jax.jit(kernel)(*tuple(_d.values())))

</pallas_src>

<mosaic_0001>
#map = affine_map<(d0, d1) -> (0, 0)>
#map1 = affine_map<(d0, d1) -> (0)>
module attributes {stable_mosaic.version = 14 : i64} {
  func.func @_sc_sums(%arg0: i32, %arg1: i32, %arg2: memref<16384x512xf32, #tpu.memory_space<hbm>>, %arg3: memref<16384x512xi32, #tpu.memory_space<hbm>>, %arg4: memref<4096xf32, #tpu.memory_space<hbm>>, %arg5: memref<24x512xf32, #tpu.memory_space<vmem>>, %arg6: memref<24x512xf32, #tpu.memory_space<vmem>>, %arg7: memref<24x512xi32, #tpu.memory_space<vmem>>, %arg8: memref<24x512xi32, #tpu.memory_space<vmem>>, %arg9: memref<128xf32, #tpu.memory_space<vmem>>, %arg10: memref<!tpu.dma_semaphore, #tpu.memory_space<semaphore_mem>>, %arg11: memref<!tpu.dma_semaphore, #tpu.memory_space<semaphore_mem>>, %arg12: memref<!tpu.dma_semaphore, #tpu.memory_space<semaphore_mem>>, %arg13: memref<!tpu.dma_semaphore, #tpu.memory_space<semaphore_mem>>) attributes {dimension_semantics = [#tpu.dimension_semantics<core_parallel>, #tpu.dimension_semantics<subcore_parallel>], iteration_bounds = array<i64: 2, 16>, scalar_prefetch = 0 : i64, scratch_operands = 9 : i64, tpu.core_type = #tpu.core_type<sc_vector_subcore>, window_params = [{transform_indices = #map}, {transform_indices = #map}, {transform_indices = #map1}]} {
    %mul3A = arith.constant 2 : i32
    %mul3A_0 = arith.muli %arg1, %mul3A : i32
    %add3A = arith.addi %mul3A_0, %arg0 : i32
    %mul3A_1 = arith.constant 240 : i32
    %mul3A_2 = arith.muli %add3A, %mul3A_1 : i32
    %add3A_3 = arith.constant 8704 : i32
    %add3A_4 = arith.addi %add3A_3, %mul3A_2 : i32
    %broadcast_in_dim3A = arith.constant 0.000000e+00 : f32
    %broadcast_in_dim3A_5 = vector.broadcast %broadcast_in_dim3A : f32 to vector<16xf32>
    %add3A_6 = arith.constant 0 : i32
    %add3A_7 = arith.addi %add3A_4, %add3A_6 : i32
    %dma_start3A = arith.constant 0 : i32
    %dma_start3A_8 = tpu.memref_slice %arg2[%add3A_7, %dma_start3A] : memref<16384x512xf32, #tpu.memory_space<hbm>> -> memref<24x512xf32, #tpu.memory_space<hbm>>
    %dma_start3A_9 = arith.constant 0 : i32
    %dma_start3A_10 = tpu.memref_slice %arg2[%add3A_7, %dma_start3A_9] : memref<16384x512xf32, #tpu.memory_space<hbm>> -> memref<24x512xf32, #tpu.memory_space<hbm>>
    tpu.enqueue_dma source(%dma_start3A_10 : memref<24x512xf32, #tpu.memory_space<hbm>>) target(%arg5 : memref<24x512xf32, #tpu.memory_space<vmem>>) target_semaphore(%arg10 : memref<!tpu.dma_semaphore, #tpu.memory_space<semaphore_mem>>)
    %add3A_11 = arith.constant 0 : i32
    %add3A_12 = arith.addi %add3A_4, %add3A_11 : i32
    %dma_start3A_13 = arith.constant 0 : i32
    %dma_start3A_14 = tpu.memref_slice %arg3[%add3A_12, %dma_start3A_13] : memref<16384x512xi32, #tpu.memory_space<hbm>> -> memref<24x512xi32, #tpu.memory_space<hbm>>
    %dma_start3A_15 = arith.constant 0 : i32
    %dma_start3A_16 = tpu.memref_slice %arg3[%add3A_12, %dma_start3A_15] : memref<16384x512xi32, #tpu.memory_space<hbm>> -> memref<24x512xi32, #tpu.memory_space<hbm>>
    tpu.enqueue_dma source(%dma_start3A_16 : memref<24x512xi32, #tpu.memory_space<hbm>>) target(%arg7 : memref<24x512xi32, #tpu.memory_space<vmem>>) target_semaphore(%arg12 : memref<!tpu.dma_semaphore, #tpu.memory_space<semaphore_mem>>)
    %add3A_17 = arith.constant 24 : i32
    %add3A_18 = arith.addi %add3A_4, %add3A_17 : i32
    %dma_start3A_19 = arith.constant 0 : i32
    %dma_start3A_20 = tpu.memref_slice %arg2[%add3A_18, %dma_start3A_19] : memref<16384x512xf32, #tpu.memory_space<hbm>> -> memref<24x512xf32, #tpu.memory_space<hbm>>
    %dma_start3A_21 = arith.constant 0 : i32
    %dma_start3A_22 = tpu.memref_slice %arg2[%add3A_18, %dma_start3A_21] : memref<16384x512xf32, #tpu.memory_space<hbm>> -> memref<24x512xf32, #tpu.memory_space<hbm>>
    tpu.enqueue_dma source(%dma_start3A_22 : memref<24x512xf32, #tpu.memory_space<hbm>>) target(%arg6 : memref<24x512xf32, #tpu.memory_space<vmem>>) target_semaphore(%arg11 : memref<!tpu.dma_semaphore, #tpu.memory_space<semaphore_mem>>)
    %add3A_23 = arith.constant 24 : i32
    %add3A_24 = arith.addi %add3A_4, %add3A_23 : i32
    %dma_start3A_25 = arith.constant 0 : i32
    %dma_start3A_26 = tpu.memref_slice %arg3[%add3A_24, %dma_start3A_25] : memref<16384x512xi32, #tpu.memory_space<hbm>> -> memref<24x512xi32, #tpu.memory_space<hbm>>
    %dma_start3A_27 = arith.constant 0 : i32
    %dma_start3A_28 = tpu.memref_slice %arg3[%add3A_24, %dma_start3A_27] : memref<16384x512xi32, #tpu.memory_space<hbm>> -> memref<24x512xi32, #tpu.memory_space<hbm>>
    tpu.enqueue_dma source(%dma_start3A_28 : memref<24x512xi32, #tpu.memory_space<hbm>>) target(%arg8 : memref<24x512xi32, #tpu.memory_space<vmem>>) target_semaphore(%arg13 : memref<!tpu.dma_semaphore, #tpu.memory_space<semaphore_mem>>)
    %scan3A = arith.constant 0 : i32
    %scan3A_29 = arith.constant 5 : i32
    %scan3A_30 = arith.addi %scan3A, %scan3A_29 : i32
    %scan3A_31 = arith.constant 1 : i32
    %scan3A_32:5 = scf.for %scan3A_69 = %scan3A to %scan3A_30 step %scan3A_31 iter_args(%scan3A_70 = %broadcast_in_dim3A_5, %scan3A_71 = %broadcast_in_dim3A_5, %scan3A_72 = %broadcast_in_dim3A_5, %scan3A_73 = %broadcast_in_dim3A_5, %scan3A_74 = %broadcast_in_dim3A_5) -> (vector<16xf32>, vector<16xf32>, vector<16xf32>, vector<16xf32>, vector<16xf32>)  : i32 {
      %dma_wait3A = arith.constant 0 : i32
      %dma_wait3A_75 = arith.constant 0 : i32
      %dma_wait3A_76 = tpu.memref_slice %arg2[%dma_wait3A, %dma_wait3A_75] : memref<16384x512xf32, #tpu.memory_space<hbm>> -> memref<24x512xf32, #tpu.memory_space<hbm>>
      %dma_wait3A_77 = arith.constant 0 : i32
      %dma_wait3A_78 = arith.constant 0 : i32
      %dma_wait3A_79 = tpu.memref_slice %arg2[%dma_wait3A_77, %dma_wait3A_78] : memref<16384x512xf32, #tpu.memory_space<hbm>> -> memref<24x512xf32, #tpu.memory_space<hbm>>
      tpu.wait_dma2 semaphore(%arg10 : memref<!tpu.dma_semaphore, #tpu.memory_space<semaphore_mem>>) src(%dma_wait3A_79 : memref<24x512xf32, #tpu.memory_space<hbm>>) dst(%arg5 : memref<24x512xf32, #tpu.memory_space<vmem>>)
      %dma_wait3A_80 = arith.constant 0 : i32
      %dma_wait3A_81 = arith.constant 0 : i32
      %dma_wait3A_82 = tpu.memref_slice %arg3[%dma_wait3A_80, %dma_wait3A_81] : memref<16384x512xi32, #tpu.memory_space<hbm>> -> memref<24x512xi32, #tpu.memory_space<hbm>>
      %dma_wait3A_83 = arith.constant 0 : i32
      %dma_wait3A_84 = arith.constant 0 : i32
      %dma_wait3A_85 = tpu.memref_slice %arg3[%dma_wait3A_83, %dma_wait3A_84] : memref<16384x512xi32, #tpu.memory_space<hbm>> -> memref<24x512xi32, #tpu.memory_space<hbm>>
      tpu.wait_dma2 semaphore(%arg12 : memref<!tpu.dma_semaphore, #tpu.memory_space<semaphore_mem>>) src(%dma_wait3A_85 : memref<24x512xi32, #tpu.memory_space<hbm>>) dst(%arg7 : memref<24x512xi32, #tpu.memory_space<vmem>>)
      %mul3A_86 = arith.constant 2 : i32
      %mul3A_87 = arith.muli %mul3A_86, %scan3A_69 : i32
      %add3A_88 = arith.constant 0 : i32
      %add3A_89 = arith.addi %mul3A_87, %add3A_88 : i32
      %add3A_90 = arith.constant 2 : i32
      %add3A_91 = arith.addi %add3A_89, %add3A_90 : i32
      %lt3A = arith.constant 10 : i32
      %lt3A_92 = arith.cmpi slt, %add3A_91, %lt3A : i32
      %convert_element_type3A = arith.extui %lt3A_92 : i1 to i32
      %cond3A = arith.constant 0 : i32
      %cond3A_93 = arith.cmpi ne, %convert_element_type3A, %cond3A : i32
      scf.if %cond3A_93 {
        %mul3A_129 = arith.constant 2 : i32
        %mul3A_130 = arith.muli %mul3A_129, %scan3A_69 : i32
        %add3A_131 = arith.constant 0 : i32
        %add3A_132 = arith.addi %mul3A_130, %add3A_131 : i32
        %add3A_133 = arith.constant 2 : i32
        %add3A_134 = arith.addi %add3A_132, %add3A_133 : i32
        %mul3A_135 = arith.constant 24 : i32
        %mul3A_136 = arith.muli %add3A_134, %mul3A_135 : i32
        %add3A_137 = arith.addi %add3A_4, %mul3A_136 : i32
        %dma_start3A_138 = arith.constant 0 : i32
        %dma_start3A_139 = tpu.memref_slice %arg2[%add3A_137, %dma_start3A_138] : memref<16384x512xf32, #tpu.memory_space<hbm>> -> memref<24x512xf32, #tpu.memory_space<hbm>>
        %dma_start3A_140 = arith.constant 0 : i32
        %dma_start3A_141 = tpu.memref_slice %arg2[%add3A_137, %dma_start3A_140] : memref<16384x512xf32, #tpu.memory_space<hbm>> -> memref<24x512xf32, #tpu.memory_space<hbm>>
        tpu.enqueue_dma source(%dma_start3A_141 : memref<24x512xf32, #tpu.memory_space<hbm>>) target(%arg5 : memref<24x512xf32, #tpu.memory_space<vmem>>) target_semaphore(%arg10 : memref<!tpu.dma_semaphore, #tpu.memory_space<semaphore_mem>>)
        %mul3A_142 = arith.constant 24 : i32
        %mul3A_143 = arith.muli %add3A_134, %mul3A_142 : i32
        %add3A_144 = arith.addi %add3A_4, %mul3A_143 : i32
        %dma_start3A_145 = arith.constant 0 : i32
        %dma_start3A_146 = tpu.memref_slice %arg3[%add3A_144, %dma_start3A_145] : memref<16384x512xi32, #tpu.memory_space<hbm>> -> memref<24x512xi32, #tpu.memory_space<hbm>>
        %dma_start3A_147 = arith.constant 0 : i32
        %dma_start3A_148 = tpu.memref_slice %arg3[%add3A_144, %dma_start3A_147] : memref<16384x512xi32, #tpu.memory_space<hbm>> -> memref<24x512xi32, #tpu.memory_space<hbm>>
        tpu.enqueue_dma source(%dma_start3A_148 : memref<24x512xi32, #tpu.memory_space<hbm>>) target(%arg7 : memref<24x512xi32, #tpu.memory_space<vmem>>) target_semaphore(%arg12 : memref<!tpu.dma_semaphore, #tpu.memory_space<semaphore_mem>>)
      } else {
      }
      %scan3A_94 = arith.constant 0 : i32
      %scan3A_95 = arith.constant 24 : i32
      %scan3A_96 = arith.addi %scan3A_94, %scan3A_95 : i32
      %scan3A_97 = arith.constant 1 : i32
      %scan3A_98:5 = scf.for %scan3A_129 = %scan3A_94 to %scan3A_96 step %scan3A_97 iter_args(%scan3A_130 = %scan3A_70, %scan3A_131 = %scan3A_71, %scan3A_132 = %scan3A_72, %scan3A_133 = %scan3A_73, %scan3A_134 = %scan3A_74) -> (vector<16xf32>, vector<16xf32>, vector<16xf32>, vector<16xf32>, vector<16xf32>)  : i32 {
        %scan3A_135 = arith.constant 0 : i32
        %scan3A_136 = arith.constant 4 : i32
        %scan3A_137 = arith.addi %scan3A_135, %scan3A_136 : i32
        %scan3A_138 = arith.constant 1 : i32
        %scan3A_139:5 = scf.for %scan3A_141 = %scan3A_135 to %scan3A_137 step %scan3A_138 iter_args(%scan3A_142 = %scan3A_130, %scan3A_143 = %scan3A_131, %scan3A_144 = %scan3A_132, %scan3A_145 = %scan3A_133, %scan3A_146 = %scan3A_134) -> (vector<16xf32>, vector<16xf32>, vector<16xf32>, vector<16xf32>, vector<16xf32>)  : i32 {
          %mul3A_147 = arith.constant 128 : i32
          %mul3A_148 = arith.muli %scan3A_141, %mul3A_147 : i32
          %add3A_149 = arith.constant 0 : i32
          %add3A_150 = arith.addi %mul3A_148, %add3A_149 : i32
          %get3A = arith.index_cast %scan3A_129 : i32 to index
          %get3A_151 = arith.index_cast %add3A_150 : i32 to index
          %get3A_152 = tpu.vector_load %arg5[%get3A, %get3A_151] {strides = array<i32>} : memref<24x512xf32, #tpu.memory_space<vmem>>, vector<1x16xf32>,
          %get3A_153 = vector.shape_cast %get3A_152 : vector<1x16xf32> to vector<16xf32>
          %get3A_154 = arith.index_cast %scan3A_129 : i32 to index
          %get3A_155 = arith.index_cast %add3A_150 : i32 to index
          %get3A_156 = tpu.vector_load %arg7[%get3A_154, %get3A_155] {strides = array<i32>} : memref<24x512xi32, #tpu.memory_space<vmem>>, vector<1x16xi32>,
          %get3A_157 = vector.shape_cast %get3A_156 : vector<1x16xi32> to vector<16xi32>
          %convert_element_type3A_158 = arith.sitofp %get3A_157 : vector<16xi32> to vector<16xf32>
          %mul3A_159 = arith.mulf %get3A_153, %get3A_153 : vector<16xf32>
          %add3A_160 = arith.addf %scan3A_142, %convert_element_type3A_158 : vector<16xf32>
          %mul3A_161 = arith.mulf %get3A_153, %convert_element_type3A_158 : vector<16xf32>
          %add3A_162 = arith.addf %scan3A_143, %mul3A_161 : vector<16xf32>
          %mul3A_163 = arith.mulf %mul3A_159, %convert_element_type3A_158 : vector<16xf32>
          %add3A_164 = arith.addf %scan3A_144, %mul3A_163 : vector<16xf32>
          %add3A_165 = arith.addf %scan3A_145, %get3A_153 : vector<16xf32>
          %add3A_166 = arith.addf %scan3A_146, %mul3A_159 : vector<16xf32>
          %mul3A_167 = arith.constant 128 : i32
          %mul3A_168 = arith.muli %scan3A_141, %mul3A_167 : i32
          %add3A_169 = arith.constant 16 : i32
          %add3A_170 = arith.addi %mul3A_168, %add3A_169 : i32
          %get3A_171 = arith.index_cast %scan3A_129 : i32 to index
          %get3A_172 = arith.index_cast %add3A_170 : i32 to index
          %get3A_173 = tpu.vector_load %arg5[%get3A_171, %get3A_172] {strides = array<i32>} : memref<24x512xf32, #tpu.memory_space<vmem>>, vector<1x16xf32>,
          %get3A_174 = vector.shape_cast %get3A_173 : vector<1x16xf32> to vector<16xf32>
          %get3A_175 = arith.index_cast %scan3A_129 : i32 to index
          %get3A_176 = arith.index_cast %add3A_170 : i32 to index
          %get3A_177 = tpu.vector_load %arg7[%get3A_175, %get3A_176] {strides = array<i32>} : memref<24x512xi32, #tpu.memory_space<vmem>>, vector<1x16xi32>,
          %get3A_178 = vector.shape_cast %get3A_177 : vector<1x16xi32> to vector<16xi32>
          %convert_element_type3A_179 = arith.sitofp %get3A_178 : vector<16xi32> to vector<16xf32>
          %mul3A_180 = arith.mulf %get3A_174, %get3A_174 : vector<16xf32>
          %add3A_181 = arith.addf %add3A_160, %convert_element_type3A_179 : vector<16xf32>
          %mul3A_182 = arith.mulf %get3A_174, %convert_element_type3A_179 : vector<16xf32>
          %add3A_183 = arith.addf %add3A_162, %mul3A_182 : vector<16xf32>
          %mul3A_184 = arith.mulf %mul3A_180, %convert_element_type3A_179 : vector<16xf32>
          %add3A_185 = arith.addf %add3A_164, %mul3A_184 : vector<16xf32>
          %add3A_186 = arith.addf %add3A_165, %get3A_174 : vector<16xf32>
          %add3A_187 = arith.addf %add3A_166, %mul3A_180 : vector<16xf32>
          %mul3A_188 = arith.constant 128 : i32
          %mul3A_189 = arith.muli %scan3A_141, %mul3A_188 : i32
          %add3A_190 = arith.constant 32 : i32
          %add3A_191 = arith.addi %mul3A_189, %add3A_190 : i32
          %get3A_192 = arith.index_cast %scan3A_129 : i32 to index
          %get3A_193 = arith.index_cast %add3A_191 : i32 to index
          %get3A_194 = tpu.vector_load %arg5[%get3A_192, %get3A_193] {strides = array<i32>} : memref<24x512xf32, #tpu.memory_space<vmem>>, vector<1x16xf32>,
          %get3A_195 = vector.shape_cast %get3A_194 : vector<1x16xf32> to vector<16xf32>
          %get3A_196 = arith.index_cast %scan3A_129 : i32 to index
          %get3A_197 = arith.index_cast %add3A_191 : i32 to index
          %get3A_198 = tpu.vector_load %arg7[%get3A_196, %get3A_197] {strides = array<i32>} : memref<24x512xi32, #tpu.memory_space<vmem>>, vector<1x16xi32>,
          %get3A_199 = vector.shape_cast %get3A_198 : vector<1x16xi32> to vector<16xi32>
          %convert_element_type3A_200 = arith.sitofp %get3A_199 : vector<16xi32> to vector<16xf32>
          %mul3A_201 = arith.mulf %get3A_195, %get3A_195 : vector<16xf32>
          %add3A_202 = arith.addf %add3A_181, %convert_element_type3A_200 : vector<16xf32>
          %mul3A_203 = arith.mulf %get3A_195, %convert_element_type3A_200 : vector<16xf32>
          %add3A_204 = arith.addf %add3A_183, %mul3A_203 : vector<16xf32>
          %mul3A_205 = arith.mulf %mul3A_201, %convert_element_type3A_200 : vector<16xf32>
          %add3A_206 = arith.addf %add3A_185, %mul3A_205 : vector<16xf32>
          %add3A_207 = arith.addf %add3A_186, %get3A_195 : vector<16xf32>
          %add3A_208 = arith.addf %add3A_187, %mul3A_201 : vector<16xf32>
          %mul3A_209 = arith.constant 128 : i32
          %mul3A_210 = arith.muli %scan3A_141, %mul3A_209 : i32
          %add3A_211 = arith.constant 48 : i32
          %add3A_212 = arith.addi %mul3A_210, %add3A_211 : i32
          %get3A_213 = arith.index_cast %scan3A_129 : i32 to index
          %get3A_214 = arith.index_cast %add3A_212 : i32 to index
          %get3A_215 = tpu.vector_load %arg5[%get3A_213, %get3A_214] {strides = array<i32>} : memref<24x512xf32, #tpu.memory_space<vmem>>, vector<1x16xf32>,
          %get3A_216 = vector.shape_cast %get3A_215 : vector<1x16xf32> to vector<16xf32>
          %get3A_217 = arith.index_cast %scan3A_129 : i32 to index
          %get3A_218 = arith.index_cast %add3A_212 : i32 to index
          %get3A_219 = tpu.vector_load %arg7[%get3A_217, %get3A_218] {strides = array<i32>} : memref<24x512xi32, #tpu.memory_space<vmem>>, vector<1x16xi32>,
          %get3A_220 = vector.shape_cast %get3A_219 : vector<1x16xi32> to vector<16xi32>
          %convert_element_type3A_221 = arith.sitofp %get3A_220 : vector<16xi32> to vector<16xf32>
          %mul3A_222 = arith.mulf %get3A_216, %get3A_216 : vector<16xf32>
          %add3A_223 = arith.addf %add3A_202, %convert_element_type3A_221 : vector<16xf32>
          %mul3A_224 = arith.mulf %get3A_216, %convert_element_type3A_221 : vector<16xf32>
          %add3A_225 = arith.addf %add3A_204, %mul3A_224 : vector<16xf32>
          %mul3A_226 = arith.mulf %mul3A_222, %convert_element_type3A_221 : vector<16xf32>
          %add3A_227 = arith.addf %add3A_206, %mul3A_226 : vector<16xf32>
          %add3A_228 = arith.addf %add3A_207, %get3A_216 : vector<16xf32>
          %add3A_229 = arith.addf %add3A_208, %mul3A_222 : vector<16xf32>
          %mul3A_230 = arith.constant 128 : i32
          %mul3A_231 = arith.muli %scan3A_141, %mul3A_230 : i32
          %add3A_232 = arith.constant 64 : i32
          %add3A_233 = arith.addi %mul3A_231, %add3A_232 : i32
          %get3A_234 = arith.index_cast %scan3A_129 : i32 to index
          %get3A_235 = arith.index_cast %add3A_233 : i32 to index
          %get3A_236 = tpu.vector_load %arg5[%get3A_234, %get3A_235] {strides = array<i32>} : memref<24x512xf32, #tpu.memory_space<vmem>>, vector<1x16xf32>,
          %get3A_237 = vector.shape_cast %get3A_236 : vector<1x16xf32> to vector<16xf32>
          %get3A_238 = arith.index_cast %scan3A_129 : i32 to index
          %get3A_239 = arith.index_cast %add3A_233 : i32 to index
          %get3A_240 = tpu.vector_load %arg7[%get3A_238, %get3A_239] {strides = array<i32>} : memref<24x512xi32, #tpu.memory_space<vmem>>, vector<1x16xi32>,
          %get3A_241 = vector.shape_cast %get3A_240 : vector<1x16xi32> to vector<16xi32>
          %convert_element_type3A_242 = arith.sitofp %get3A_241 : vector<16xi32> to vector<16xf32>
          %mul3A_243 = arith.mulf %get3A_237, %get3A_237 : vector<16xf32>
          %add3A_244 = arith.addf %add3A_223, %convert_element_type3A_242 : vector<16xf32>
          %mul3A_245 = arith.mulf %get3A_237, %convert_element_type3A_242 : vector<16xf32>
          %add3A_246 = arith.addf %add3A_225, %mul3A_245 : vector<16xf32>
          %mul3A_247 = arith.mulf %mul3A_243, %convert_element_type3A_242 : vector<16xf32>
          %add3A_248 = arith.addf %add3A_227, %mul3A_247 : vector<16xf32>
          %add3A_249 = arith.addf %add3A_228, %get3A_237 : vector<16xf32>
          %add3A_250 = arith.addf %add3A_229, %mul3A_243 : vector<16xf32>
          %mul3A_251 = arith.constant 128 : i32
          %mul3A_252 = arith.muli %scan3A_141, %mul3A_251 : i32
          %add3A_253 = arith.constant 80 : i32
          %add3A_254 = arith.addi %mul3A_252, %add3A_253 : i32
          %get3A_255 = arith.index_cast %scan3A_129 : i32 to index
          %get3A_256 = arith.index_cast %add3A_254 : i32 to index
          %get3A_257 = tpu.vector_load %arg5[%get3A_255, %get3A_256] {strides = array<i32>} : memref<24x512xf32, #tpu.memory_space<vmem>>, vector<1x16xf32>,
          %get3A_258 = vector.shape_cast %get3A_257 : vector<1x16xf32> to vector<16xf32>
          %get3A_259 = arith.index_cast %scan3A_129 : i32 to index
          %get3A_260 = arith.index_cast %add3A_254 : i32 to index
          %get3A_261 = tpu.vector_load %arg7[%get3A_259, %get3A_260] {strides = array<i32>} : memref<24x512xi32, #tpu.memory_space<vmem>>, vector<1x16xi32>,
          %get3A_262 = vector.shape_cast %get3A_261 : vector<1x16xi32> to vector<16xi32>
          %convert_element_type3A_263 = arith.sitofp %get3A_262 : vector<16xi32> to vector<16xf32>
          %mul3A_264 = arith.mulf %get3A_258, %get3A_258 : vector<16xf32>
          %add3A_265 = arith.addf %add3A_244, %convert_element_type3A_263 : vector<16xf32>
          %mul3A_266 = arith.mulf %get3A_258, %convert_element_type3A_263 : vector<16xf32>
          %add3A_267 = arith.addf %add3A_246, %mul3A_266 : vector<16xf32>
          %mul3A_268 = arith.mulf %mul3A_264, %convert_element_type3A_263 : vector<16xf32>
          %add3A_269 = arith.addf %add3A_248, %mul3A_268 : vector<16xf32>
          %add3A_270 = arith.addf %add3A_249, %get3A_258 : vector<16xf32>
          %add3A_271 = arith.addf %add3A_250, %mul3A_264 : vector<16xf32>
          %mul3A_272 = arith.constant 128 : i32
          %mul3A_273 = arith.muli %scan3A_141, %mul3A_272 : i32
          %add3A_274 = arith.constant 96 : i32
          %add3A_275 = arith.addi %mul3A_273, %add3A_274 : i32
          %get3A_276 = arith.index_cast %scan3A_129 : i32 to index
          %get3A_277 = arith.index_cast %add3A_275 : i32 to index
          %get3A_278 = tpu.vector_load %arg5[%get3A_276, %get3A_277] {strides = array<i32>} : memref<24x512xf32, #tpu.memory_space<vmem>>, vector<1x16xf32>,
          %get3A_279 = vector.shape_cast %get3A_278 : vector<1x16xf32> to vector<16xf32>
          %get3A_280 = arith.index_cast %scan3A_129 : i32 to index
          %get3A_281 = arith.index_cast %add3A_275 : i32 to index
          %get3A_282 = tpu.vector_load %arg7[%get3A_280, %get3A_281] {strides = array<i32>} : memref<24x512xi32, #tpu.memory_space<vmem>>, vector<1x16xi32>,
          %get3A_283 = vector.shape_cast %get3A_282 : vector<1x16xi32> to vector<16xi32>
          %convert_element_type3A_284 = arith.sitofp %get3A_283 : vector<16xi32> to vector<16xf32>
          %mul3A_285 = arith.mulf %get3A_279, %get3A_279 : vector<16xf32>
          %add3A_286 = arith.addf %add3A_265, %convert_element_type3A_284 : vector<16xf32>
          %mul3A_287 = arith.mulf %get3A_279, %convert_element_type3A_284 : vector<16xf32>
          %add3A_288 = arith.addf %add3A_267, %mul3A_287 : vector<16xf32>
          %mul3A_289 = arith.mulf %mul3A_285, %convert_element_type3A_284 : vector<16xf32>
          %add3A_290 = arith.addf %add3A_269, %mul3A_289 : vector<16xf32>
          %add3A_291 = arith.addf %add3A_270, %get3A_279 : vector<16xf32>
          %add3A_292 = arith.addf %add3A_271, %mul3A_285 : vector<16xf32>
          %mul3A_293 = arith.constant 128 : i32
          %mul3A_294 = arith.muli %scan3A_141, %mul3A_293 : i32
          %add3A_295 = arith.constant 112 : i32
          %add3A_296 = arith.addi %mul3A_294, %add3A_295 : i32
          %get3A_297 = arith.index_cast %scan3A_129 : i32 to index
          %get3A_298 = arith.index_cast %add3A_296 : i32 to index
          %get3A_299 = tpu.vector_load %arg5[%get3A_297, %get3A_298] {strides = array<i32>} : memref<24x512xf32, #tpu.memory_space<vmem>>, vector<1x16xf32>,
          %get3A_300 = vector.shape_cast %get3A_299 : vector<1x16xf32> to vector<16xf32>
          %get3A_301 = arith.index_cast %scan3A_129 : i32 to index
          %get3A_302 = arith.index_cast %add3A_296 : i32 to index
          %get3A_303 = tpu.vector_load %arg7[%get3A_301, %get3A_302] {strides = array<i32>} : memref<24x512xi32, #tpu.memory_space<vmem>>, vector<1x16xi32>,
          %get3A_304 = vector.shape_cast %get3A_303 : vector<1x16xi32> to vector<16xi32>
          %convert_element_type3A_305 = arith.sitofp %get3A_304 : vector<16xi32> to vector<16xf32>
          %mul3A_306 = arith.mulf %get3A_300, %get3A_300 : vector<16xf32>
          %add3A_307 = arith.addf %add3A_286, %convert_element_type3A_305 : vector<16xf32>
          %mul3A_308 = arith.mulf %get3A_300, %convert_element_type3A_305 : vector<16xf32>
          %add3A_309 = arith.addf %add3A_288, %mul3A_308 : vector<16xf32>
          %mul3A_310 = arith.mulf %mul3A_306, %convert_element_type3A_305 : vector<16xf32>
          %add3A_311 = arith.addf %add3A_290, %mul3A_310 : vector<16xf32>
          %add3A_312 = arith.addf %add3A_291, %get3A_300 : vector<16xf32>
          %add3A_313 = arith.addf %add3A_292, %mul3A_306 : vector<16xf32>
          scf.yield %add3A_307, %add3A_309, %add3A_311, %add3A_312, %add3A_313 : vector<16xf32>, vector<16xf32>, vector<16xf32>, vector<16xf32>, vector<16xf32>
        }
        %scan3A_140 = arith.constant 4 : i32
        scf.yield %scan3A_139#0, %scan3A_139#1, %scan3A_139#2, %scan3A_139#3, %scan3A_139#4 : vector<16xf32>, vector<16xf32>, vector<16xf32>, vector<16xf32>, vector<16xf32>
      }
      %scan3A_99 = arith.constant 24 : i32
      %dma_wait3A_100 = arith.constant 0 : i32
      %dma_wait3A_101 = arith.constant 0 : i32
      %dma_wait3A_102 = tpu.memref_slice %arg2[%dma_wait3A_100, %dma_wait3A_101] : memref<16384x512xf32, #tpu.memory_space<hbm>> -> memref<24x512xf32, #tpu.memory_space<hbm>>
      %dma_wait3A_103 = arith.constant 0 : i32
      %dma_wait3A_104 = arith.constant 0 : i32
      %dma_wait3A_105 = tpu.memref_slice %arg2[%dma_wait3A_103, %dma_wait3A_104] : memref<16384x512xf32, #tpu.memory_space<hbm>> -> memref<24x512xf32, #tpu.memory_space<hbm>>
      tpu.wait_dma2 semaphore(%arg11 : memref<!tpu.dma_semaphore, #tpu.memory_space<semaphore_mem>>) src(%dma_wait3A_105 : memref<24x512xf32, #tpu.memory_space<hbm>>) dst(%arg6 : memref<24x512xf32, #tpu.memory_space<vmem>>)
      %dma_wait3A_106 = arith.constant 0 : i32
      %dma_wait3A_107 = arith.constant 0 : i32
      %dma_wait3A_108 = tpu.memref_slice %arg3[%dma_wait3A_106, %dma_wait3A_107] : memref<16384x512xi32, #tpu.memory_space<hbm>> -> memref<24x512xi32, #tpu.memory_space<hbm>>
      %dma_wait3A_109 = arith.constant 0 : i32
      %dma_wait3A_110 = arith.constant 0 : i32
      %dma_wait3A_111 = tpu.memref_slice %arg3[%dma_wait3A_109, %dma_wait3A_110] : memref<16384x512xi32, #tpu.memory_space<hbm>> -> memref<24x512xi32, #tpu.memory_space<hbm>>
      tpu.wait_dma2 semaphore(%arg13 : memref<!tpu.dma_semaphore, #tpu.memory_space<semaphore_mem>>) src(%dma_wait3A_111 : memref<24x512xi32, #tpu.memory_space<hbm>>) dst(%arg8 : memref<24x512xi32, #tpu.memory_space<vmem>>)
      %mul3A_112 = arith.constant 2 : i32
      %mul3A_113 = arith.muli %mul3A_112, %scan3A_69 : i32
      %add3A_114 = arith.constant 1 : i32
      %add3A_115 = arith.addi %mul3A_113, %add3A_114 : i32
      %add3A_116 = arith.constant 2 : i32
      %add3A_117 = arith.addi %add3A_115, %add3A_116 : i32
      %lt3A_118 = arith.constant 10 : i32
      %lt3A_119 = arith.cmpi slt, %add3A_117, %lt3A_118 : i32
      %convert_element_type3A_120 = arith.extui %lt3A_119 : i1 to i32
      %cond3A_121 = arith.constant 0 : i32
      %cond3A_122 = arith.cmpi ne, %convert_element_type3A_120, %cond3A_121 : i32
      scf.if %cond3A_122 {
        %mul3A_129 = arith.constant 2 : i32
        %mul3A_130 = arith.muli %mul3A_129, %scan3A_69 : i32
        %add3A_131 = arith.constant 1 : i32
        %add3A_132 = arith.addi %mul3A_130, %add3A_131 : i32
        %add3A_133 = arith.constant 2 : i32
        %add3A_134 = arith.addi %add3A_132, %add3A_133 : i32
        %mul3A_135 = arith.constant 24 : i32
        %mul3A_136 = arith.muli %add3A_134, %mul3A_135 : i32
        %add3A_137 = arith.addi %add3A_4, %mul3A_136 : i32
        %dma_start3A_138 = arith.constant 0 : i32
        %dma_start3A_139 = tpu.memref_slice %arg2[%add3A_137, %dma_start3A_138] : memref<16384x512xf32, #tpu.memory_space<hbm>> -> memref<24x512xf32, #tpu.memory_space<hbm>>
        %dma_start3A_140 = arith.constant 0 : i32
        %dma_start3A_141 = tpu.memref_slice %arg2[%add3A_137, %dma_start3A_140] : memref<16384x512xf32, #tpu.memory_space<hbm>> -> memref<24x512xf32, #tpu.memory_space<hbm>>
        tpu.enqueue_dma source(%dma_start3A_141 : memref<24x512xf32, #tpu.memory_space<hbm>>) target(%arg6 : memref<24x512xf32, #tpu.memory_space<vmem>>) target_semaphore(%arg11 : memref<!tpu.dma_semaphore, #tpu.memory_space<semaphore_mem>>)
        %mul3A_142 = arith.constant 24 : i32
        %mul3A_143 = arith.muli %add3A_134, %mul3A_142 : i32
        %add3A_144 = arith.addi %add3A_4, %mul3A_143 : i32
        %dma_start3A_145 = arith.constant 0 : i32
        %dma_start3A_146 = tpu.memref_slice %arg3[%add3A_144, %dma_start3A_145] : memref<16384x512xi32, #tpu.memory_space<hbm>> -> memref<24x512xi32, #tpu.memory_space<hbm>>
        %dma_start3A_147 = arith.constant 0 : i32
        %dma_start3A_148 = tpu.memref_slice %arg3[%add3A_144, %dma_start3A_147] : memref<16384x512xi32, #tpu.memory_space<hbm>> -> memref<24x512xi32, #tpu.memory_space<hbm>>
        tpu.enqueue_dma source(%dma_start3A_148 : memref<24x512xi32, #tpu.memory_space<hbm>>) target(%arg8 : memref<24x512xi32, #tpu.memory_space<vmem>>) target_semaphore(%arg13 : memref<!tpu.dma_semaphore, #tpu.memory_space<semaphore_mem>>)
      } else {
      }
      %scan3A_123 = arith.constant 0 : i32
      %scan3A_124 = arith.constant 24 : i32
      %scan3A_125 = arith.addi %scan3A_123, %scan3A_124 : i32
      %scan3A_126 = arith.constant 1 : i32
      %scan3A_127:5 = scf.for %scan3A_129 = %scan3A_123 to %scan3A_125 step %scan3A_126 iter_args(%scan3A_130 = %scan3A_98#0, %scan3A_131 = %scan3A_98#1, %scan3A_132 = %scan3A_98#2, %scan3A_133 = %scan3A_98#3, %scan3A_134 = %scan3A_98#4) -> (vector<16xf32>, vector<16xf32>, vector<16xf32>, vector<16xf32>, vector<16xf32>)  : i32 {
        %scan3A_135 = arith.constant 0 : i32
        %scan3A_136 = arith.constant 4 : i32
        %scan3A_137 = arith.addi %scan3A_135, %scan3A_136 : i32
        %scan3A_138 = arith.constant 1 : i32
        %scan3A_139:5 = scf.for %scan3A_141 = %scan3A_135 to %scan3A_137 step %scan3A_138 iter_args(%scan3A_142 = %scan3A_130, %scan3A_143 = %scan3A_131, %scan3A_144 = %scan3A_132, %scan3A_145 = %scan3A_133, %scan3A_146 = %scan3A_134) -> (vector<16xf32>, vector<16xf32>, vector<16xf32>, vector<16xf32>, vector<16xf32>)  : i32 {
          %mul3A_147 = arith.constant 128 : i32
          %mul3A_148 = arith.muli %scan3A_141, %mul3A_147 : i32
          %add3A_149 = arith.constant 0 : i32
          %add3A_150 = arith.addi %mul3A_148, %add3A_149 : i32
          %get3A = arith.index_cast %scan3A_129 : i32 to index
          %get3A_151 = arith.index_cast %add3A_150 : i32 to index
          %get3A_152 = tpu.vector_load %arg6[%get3A, %get3A_151] {strides = array<i32>} : memref<24x512xf32, #tpu.memory_space<vmem>>, vector<1x16xf32>,
          %get3A_153 = vector.shape_cast %get3A_152 : vector<1x16xf32> to vector<16xf32>
          %get3A_154 = arith.index_cast %scan3A_129 : i32 to index
          %get3A_155 = arith.index_cast %add3A_150 : i32 to index
          %get3A_156 = tpu.vector_load %arg8[%get3A_154, %get3A_155] {strides = array<i32>} : memref<24x512xi32, #tpu.memory_space<vmem>>, vector<1x16xi32>,
          %get3A_157 = vector.shape_cast %get3A_156 : vector<1x16xi32> to vector<16xi32>
          %convert_element_type3A_158 = arith.sitofp %get3A_157 : vector<16xi32> to vector<16xf32>
          %mul3A_159 = arith.mulf %get3A_153, %get3A_153 : vector<16xf32>
          %add3A_160 = arith.addf %scan3A_142, %convert_element_type3A_158 : vector<16xf32>
          %mul3A_161 = arith.mulf %get3A_153, %convert_element_type3A_158 : vector<16xf32>
          %add3A_162 = arith.addf %scan3A_143, %mul3A_161 : vector<16xf32>
          %mul3A_163 = arith.mulf %mul3A_159, %convert_element_type3A_158 : vector<16xf32>
          %add3A_164 = arith.addf %scan3A_144, %mul3A_163 : vector<16xf32>
          %add3A_165 = arith.addf %scan3A_145, %get3A_153 : vector<16xf32>
          %add3A_166 = arith.addf %scan3A_146, %mul3A_159 : vector<16xf32>
          %mul3A_167 = arith.constant 128 : i32
          %mul3A_168 = arith.muli %scan3A_141, %mul3A_167 : i32
          %add3A_169 = arith.constant 16 : i32
          %add3A_170 = arith.addi %mul3A_168, %add3A_169 : i32
          %get3A_171 = arith.index_cast %scan3A_129 : i32 to index
          %get3A_172 = arith.index_cast %add3A_170 : i32 to index
          %get3A_173 = tpu.vector_load %arg6[%get3A_171, %get3A_172] {strides = array<i32>} : memref<24x512xf32, #tpu.memory_space<vmem>>, vector<1x16xf32>,
          %get3A_174 = vector.shape_cast %get3A_173 : vector<1x16xf32> to vector<16xf32>
          %get3A_175 = arith.index_cast %scan3A_129 : i32 to index
          %get3A_176 = arith.index_cast %add3A_170 : i32 to index
          %get3A_177 = tpu.vector_load %arg8[%get3A_175, %get3A_176] {strides = array<i32>} : memref<24x512xi32, #tpu.memory_space<vmem>>, vector<1x16xi32>,
          %get3A_178 = vector.shape_cast %get3A_177 : vector<1x16xi32> to vector<16xi32>
          %convert_element_type3A_179 = arith.sitofp %get3A_178 : vector<16xi32> to vector<16xf32>
          %mul3A_180 = arith.mulf %get3A_174, %get3A_174 : vector<16xf32>
          %add3A_181 = arith.addf %add3A_160, %convert_element_type3A_179 : vector<16xf32>
          %mul3A_182 = arith.mulf %get3A_174, %convert_element_type3A_179 : vector<16xf32>
          %add3A_183 = arith.addf %add3A_162, %mul3A_182 : vector<16xf32>
          %mul3A_184 = arith.mulf %mul3A_180, %convert_element_type3A_179 : vector<16xf32>
          %add3A_185 = arith.addf %add3A_164, %mul3A_184 : vector<16xf32>
          %add3A_186 = arith.addf %add3A_165, %get3A_174 : vector<16xf32>
          %add3A_187 = arith.addf %add3A_166, %mul3A_180 : vector<16xf32>
          %mul3A_188 = arith.constant 128 : i32
          %mul3A_189 = arith.muli %scan3A_141, %mul3A_188 : i32
          %add3A_190 = arith.constant 32 : i32
          %add3A_191 = arith.addi %mul3A_189, %add3A_190 : i32
          %get3A_192 = arith.index_cast %scan3A_129 : i32 to index
          %get3A_193 = arith.index_cast %add3A_191 : i32 to index
          %get3A_194 = tpu.vector_load %arg6[%get3A_192, %get3A_193] {strides = array<i32>} : memref<24x512xf32, #tpu.memory_space<vmem>>, vector<1x16xf32>,
          %get3A_195 = vector.shape_cast %get3A_194 : vector<1x16xf32> to vector<16xf32>
          %get3A_196 = arith.index_cast %scan3A_129 : i32 to index
          %get3A_197 = arith.index_cast %add3A_191 : i32 to index
          %get3A_198 = tpu.vector_load %arg8[%get3A_196, %get3A_197] {strides = array<i32>} : memref<24x512xi32, #tpu.memory_space<vmem>>, vector<1x16xi32>,
          %get3A_199 = vector.shape_cast %get3A_198 : vector<1x16xi32> to vector<16xi32>
          %convert_element_type3A_200 = arith.sitofp %get3A_199 : vector<16xi32> to vector<16xf32>
          %mul3A_201 = arith.mulf %get3A_195, %get3A_195 : vector<16xf32>
          %add3A_202 = arith.addf %add3A_181, %convert_element_type3A_200 : vector<16xf32>
          %mul3A_203 = arith.mulf %get3A_195, %convert_element_type3A_200 : vector<16xf32>
          %add3A_204 = arith.addf %add3A_183, %mul3A_203 : vector<16xf32>
          %mul3A_205 = arith.mulf %mul3A_201, %convert_element_type3A_200 : vector<16xf32>
          %add3A_206 = arith.addf %add3A_185, %mul3A_205 : vector<16xf32>
          %add3A_207 = arith.addf %add3A_186, %get3A_195 : vector<16xf32>
          %add3A_208 = arith.addf %add3A_187, %mul3A_201 : vector<16xf32>
          %mul3A_209 = arith.constant 128 : i32
          %mul3A_210 = arith.muli %scan3A_141, %mul3A_209 : i32
          %add3A_211 = arith.constant 48 : i32
          %add3A_212 = arith.addi %mul3A_210, %add3A_211 : i32
          %get3A_213 = arith.index_cast %scan3A_129 : i32 to index
          %get3A_214 = arith.index_cast %add3A_212 : i32 to index
          %get3A_215 = tpu.vector_load %arg6[%get3A_213, %get3A_214] {strides = array<i32>} : memref<24x512xf32, #tpu.memory_space<vmem>>, vector<1x16xf32>,
          %get3A_216 = vector.shape_cast %get3A_215 : vector<1x16xf32> to vector<16xf32>
          %get3A_217 = arith.index_cast %scan3A_129 : i32 to index
          %get3A_218 = arith.index_cast %add3A_212 : i32 to index
          %get3A_219 = tpu.vector_load %arg8[%get3A_217, %get3A_218] {strides = array<i32>} : memref<24x512xi32, #tpu.memory_space<vmem>>, vector<1x16xi32>,
          %get3A_220 = vector.shape_cast %get3A_219 : vector<1x16xi32> to vector<16xi32>
          %convert_element_type3A_221 = arith.sitofp %get3A_220 : vector<16xi32> to vector<16xf32>
          %mul3A_222 = arith.mulf %get3A_216, %get3A_216 : vector<16xf32>
          %add3A_223 = arith.addf %add3A_202, %convert_element_type3A_221 : vector<16xf32>
          %mul3A_224 = arith.mulf %get3A_216, %convert_element_type3A_221 : vector<16xf32>
          %add3A_225 = arith.addf %add3A_204, %mul3A_224 : vector<16xf32>
          %mul3A_226 = arith.mulf %mul3A_222, %convert_element_type3A_221 : vector<16xf32>
          %add3A_227 = arith.addf %add3A_206, %mul3A_226 : vector<16xf32>
          %add3A_228 = arith.addf %add3A_207, %get3A_216 : vector<16xf32>
          %add3A_229 = arith.addf %add3A_208, %mul3A_222 : vector<16xf32>
          %mul3A_230 = arith.constant 128 : i32
          %mul3A_231 = arith.muli %scan3A_141, %mul3A_230 : i32
          %add3A_232 = arith.constant 64 : i32
          %add3A_233 = arith.addi %mul3A_231, %add3A_232 : i32
          %get3A_234 = arith.index_cast %scan3A_129 : i32 to index
          %get3A_235 = arith.index_cast %add3A_233 : i32 to index
          %get3A_236 = tpu.vector_load %arg6[%get3A_234, %get3A_235] {strides = array<i32>} : memref<24x512xf32, #tpu.memory_space<vmem>>, vector<1x16xf32>,
          %get3A_237 = vector.shape_cast %get3A_236 : vector<1x16xf32> to vector<16xf32>
          %get3A_238 = arith.index_cast %scan3A_129 : i32 to index
          %get3A_239 = arith.index_cast %add3A_233 : i32 to index
          %get3A_240 = tpu.vector_load %arg8[%get3A_238, %get3A_239] {strides = array<i32>} : memref<24x512xi32, #tpu.memory_space<vmem>>, vector<1x16xi32>,
          %get3A_241 = vector.shape_cast %get3A_240 : vector<1x16xi32> to vector<16xi32>
          %convert_element_type3A_242 = arith.sitofp %get3A_241 : vector<16xi32> to vector<16xf32>
          %mul3A_243 = arith.mulf %get3A_237, %get3A_237 : vector<16xf32>
          %add3A_244 = arith.addf %add3A_223, %convert_element_type3A_242 : vector<16xf32>
          %mul3A_245 = arith.mulf %get3A_237, %convert_element_type3A_242 : vector<16xf32>
          %add3A_246 = arith.addf %add3A_225, %mul3A_245 : vector<16xf32>
          %mul3A_247 = arith.mulf %mul3A_243, %convert_element_type3A_242 : vector<16xf32>
          %add3A_248 = arith.addf %add3A_227, %mul3A_247 : vector<16xf32>
          %add3A_249 = arith.addf %add3A_228, %get3A_237 : vector<16xf32>
          %add3A_250 = arith.addf %add3A_229, %mul3A_243 : vector<16xf32>
          %mul3A_251 = arith.constant 128 : i32
          %mul3A_252 = arith.muli %scan3A_141, %mul3A_251 : i32
          %add3A_253 = arith.constant 80 : i32
          %add3A_254 = arith.addi %mul3A_252, %add3A_253 : i32
          %get3A_255 = arith.index_cast %scan3A_129 : i32 to index
          %get3A_256 = arith.index_cast %add3A_254 : i32 to index
          %get3A_257 = tpu.vector_load %arg6[%get3A_255, %get3A_256] {strides = array<i32>} : memref<24x512xf32, #tpu.memory_space<vmem>>, vector<1x16xf32>,
          %get3A_258 = vector.shape_cast %get3A_257 : vector<1x16xf32> to vector<16xf32>
          %get3A_259 = arith.index_cast %scan3A_129 : i32 to index
          %get3A_260 = arith.index_cast %add3A_254 : i32 to index
          %get3A_261 = tpu.vector_load %arg8[%get3A_259, %get3A_260] {strides = array<i32>} : memref<24x512xi32, #tpu.memory_space<vmem>>, vector<1x16xi32>,
          %get3A_262 = vector.shape_cast %get3A_261 : vector<1x16xi32> to vector<16xi32>
          %convert_element_type3A_263 = arith.sitofp %get3A_262 : vector<16xi32> to vector<16xf32>
          %mul3A_264 = arith.mulf %get3A_258, %get3A_258 : vector<16xf32>
          %add3A_265 = arith.addf %add3A_244, %convert_element_type3A_263 : vector<16xf32>
          %mul3A_266 = arith.mulf %get3A_258, %convert_element_type3A_263 : vector<16xf32>
          %add3A_267 = arith.addf %add3A_246, %mul3A_266 : vector<16xf32>
          %mul3A_268 = arith.mulf %mul3A_264, %convert_element_type3A_263 : vector<16xf32>
          %add3A_269 = arith.addf %add3A_248, %mul3A_268 : vector<16xf32>
          %add3A_270 = arith.addf %add3A_249, %get3A_258 : vector<16xf32>
          %add3A_271 = arith.addf %add3A_250, %mul3A_264 : vector<16xf32>
          %mul3A_272 = arith.constant 128 : i32
          %mul3A_273 = arith.muli %scan3A_141, %mul3A_272 : i32
          %add3A_274 = arith.constant 96 : i32
          %add3A_275 = arith.addi %mul3A_273, %add3A_274 : i32
          %get3A_276 = arith.index_cast %scan3A_129 : i32 to index
          %get3A_277 = arith.index_cast %add3A_275 : i32 to index
          %get3A_278 = tpu.vector_load %arg6[%get3A_276, %get3A_277] {strides = array<i32>} : memref<24x512xf32, #tpu.memory_space<vmem>>, vector<1x16xf32>,
          %get3A_279 = vector.shape_cast %get3A_278 : vector<1x16xf32> to vector<16xf32>
          %get3A_280 = arith.index_cast %scan3A_129 : i32 to index
          %get3A_281 = arith.index_cast %add3A_275 : i32 to index
          %get3A_282 = tpu.vector_load %arg8[%get3A_280, %get3A_281] {strides = array<i32>} : memref<24x512xi32, #tpu.memory_space<vmem>>, vector<1x16xi32>,
          %get3A_283 = vector.shape_cast %get3A_282 : vector<1x16xi32> to vector<16xi32>
          %convert_element_type3A_284 = arith.sitofp %get3A_283 : vector<16xi32> to vector<16xf32>
          %mul3A_285 = arith.mulf %get3A_279, %get3A_279 : vector<16xf32>
          %add3A_286 = arith.addf %add3A_265, %convert_element_type3A_284 : vector<16xf32>
          %mul3A_287 = arith.mulf %get3A_279, %convert_element_type3A_284 : vector<16xf32>
          %add3A_288 = arith.addf %add3A_267, %mul3A_287 : vector<16xf32>
          %mul3A_289 = arith.mulf %mul3A_285, %convert_element_type3A_284 : vector<16xf32>
          %add3A_290 = arith.addf %add3A_269, %mul3A_289 : vector<16xf32>
          %add3A_291 = arith.addf %add3A_270, %get3A_279 : vector<16xf32>
          %add3A_292 = arith.addf %add3A_271, %mul3A_285 : vector<16xf32>
          %mul3A_293 = arith.constant 128 : i32
          %mul3A_294 = arith.muli %scan3A_141, %mul3A_293 : i32
          %add3A_295 = arith.constant 112 : i32
          %add3A_296 = arith.addi %mul3A_294, %add3A_295 : i32
          %get3A_297 = arith.index_cast %scan3A_129 : i32 to index
          %get3A_298 = arith.index_cast %add3A_296 : i32 to index
          %get3A_299 = tpu.vector_load %arg6[%get3A_297, %get3A_298] {strides = array<i32>} : memref<24x512xf32, #tpu.memory_space<vmem>>, vector<1x16xf32>,
          %get3A_300 = vector.shape_cast %get3A_299 : vector<1x16xf32> to vector<16xf32>
          %get3A_301 = arith.index_cast %scan3A_129 : i32 to index
          %get3A_302 = arith.index_cast %add3A_296 : i32 to index
          %get3A_303 = tpu.vector_load %arg8[%get3A_301, %get3A_302] {strides = array<i32>} : memref<24x512xi32, #tpu.memory_space<vmem>>, vector<1x16xi32>,
          %get3A_304 = vector.shape_cast %get3A_303 : vector<1x16xi32> to vector<16xi32>
          %convert_element_type3A_305 = arith.sitofp %get3A_304 : vector<16xi32> to vector<16xf32>
          %mul3A_306 = arith.mulf %get3A_300, %get3A_300 : vector<16xf32>
          %add3A_307 = arith.addf %add3A_286, %convert_element_type3A_305 : vector<16xf32>
          %mul3A_308 = arith.mulf %get3A_300, %convert_element_type3A_305 : vector<16xf32>
          %add3A_309 = arith.addf %add3A_288, %mul3A_308 : vector<16xf32>
          %mul3A_310 = arith.mulf %mul3A_306, %convert_element_type3A_305 : vector<16xf32>
          %add3A_311 = arith.addf %add3A_290, %mul3A_310 : vector<16xf32>
          %add3A_312 = arith.addf %add3A_291, %get3A_300 : vector<16xf32>
          %add3A_313 = arith.addf %add3A_292, %mul3A_306 : vector<16xf32>
          scf.yield %add3A_307, %add3A_309, %add3A_311, %add3A_312, %add3A_313 : vector<16xf32>, vector<16xf32>, vector<16xf32>, vector<16xf32>, vector<16xf32>
        }
        %scan3A_140 = arith.constant 4 : i32
        scf.yield %scan3A_139#0, %scan3A_139#1, %scan3A_139#2, %scan3A_139#3, %scan3A_139#4 : vector<16xf32>, vector<16xf32>, vector<16xf32>, vector<16xf32>, vector<16xf32>
      }
      %scan3A_128 = arith.constant 24 : i32
      scf.yield %scan3A_127#0, %scan3A_127#1, %scan3A_127#2, %scan3A_127#3, %scan3A_127#4 : vector<16xf32>, vector<16xf32>, vector<16xf32>, vector<16xf32>, vector<16xf32>
    }
    %scan3A_33 = arith.constant 5 : i32
    %swap3A = arith.constant 0 : index
    %swap3A_34 = tpu.vector_load %arg9[%swap3A] {strides = array<i32>} : memref<128xf32, #tpu.memory_space<vmem>>, vector<16xf32>,
    %swap3A_35 = vector.shape_cast %swap3A_34 : vector<16xf32> to vector<16xf32>
    %swap3A_36 = vector.shape_cast %scan3A_32#0 : vector<16xf32> to vector<16xf32>
    tpu.vector_store %arg9[%swap3A], %swap3A_36 {strides = array<i32>} : memref<128xf32, #tpu.memory_space<vmem>>, vector<16xf32>,
    %swap3A_37 = arith.constant 16 : index
    %swap3A_38 = tpu.vector_load %arg9[%swap3A_37] {strides = array<i32>} : memref<128xf32, #tpu.memory_space<vmem>>, vector<16xf32>,
    %swap3A_39 = vector.shape_cast %swap3A_38 : vector<16xf32> to vector<16xf32>
    %swap3A_40 = vector.shape_cast %scan3A_32#1 : vector<16xf32> to vector<16xf32>
    tpu.vector_store %arg9[%swap3A_37], %swap3A_40 {strides = array<i32>} : memref<128xf32, #tpu.memory_space<vmem>>, vector<16xf32>,
    %swap3A_41 = arith.constant 32 : index
    %swap3A_42 = tpu.vector_load %arg9[%swap3A_41] {strides = array<i32>} : memref<128xf32, #tpu.memory_space<vmem>>, vector<16xf32>,
    %swap3A_43 = vector.shape_cast %swap3A_42 : vector<16xf32> to vector<16xf32>
    %swap3A_44 = vector.shape_cast %scan3A_32#2 : vector<16xf32> to vector<16xf32>
    tpu.vector_store %arg9[%swap3A_41], %swap3A_44 {strides = array<i32>} : memref<128xf32, #tpu.memory_space<vmem>>, vector<16xf32>,
    %swap3A_45 = arith.constant 48 : index
    %swap3A_46 = tpu.vector_load %arg9[%swap3A_45] {strides = array<i32>} : memref<128xf32, #tpu.memory_space<vmem>>, vector<16xf32>,
    %swap3A_47 = vector.shape_cast %swap3A_46 : vector<16xf32> to vector<16xf32>
    %swap3A_48 = vector.shape_cast %scan3A_32#3 : vector<16xf32> to vector<16xf32>
    tpu.vector_store %arg9[%swap3A_45], %swap3A_48 {strides = array<i32>} : memref<128xf32, #tpu.memory_space<vmem>>, vector<16xf32>,
    %swap3A_49 = arith.constant 64 : index
    %swap3A_50 = tpu.vector_load %arg9[%swap3A_49] {strides = array<i32>} : memref<128xf32, #tpu.memory_space<vmem>>, vector<16xf32>,
    %swap3A_51 = vector.shape_cast %swap3A_50 : vector<16xf32> to vector<16xf32>
    %swap3A_52 = vector.shape_cast %scan3A_32#4 : vector<16xf32> to vector<16xf32>
    tpu.vector_store %arg9[%swap3A_49], %swap3A_52 {strides = array<i32>} : memref<128xf32, #tpu.memory_space<vmem>>, vector<16xf32>,
    %swap3A_53 = arith.constant 80 : index
    %swap3A_54 = tpu.vector_load %arg9[%swap3A_53] {strides = array<i32>} : memref<128xf32, #tpu.memory_space<vmem>>, vector<16xf32>,
    %swap3A_55 = vector.shape_cast %swap3A_54 : vector<16xf32> to vector<16xf32>
    %swap3A_56 = vector.shape_cast %broadcast_in_dim3A_5 : vector<16xf32> to vector<16xf32>
    tpu.vector_store %arg9[%swap3A_53], %swap3A_56 {strides = array<i32>} : memref<128xf32, #tpu.memory_space<vmem>>, vector<16xf32>,
    %swap3A_57 = arith.constant 96 : index
    %swap3A_58 = tpu.vector_load %arg9[%swap3A_57] {strides = array<i32>} : memref<128xf32, #tpu.memory_space<vmem>>, vector<16xf32>,
    %swap3A_59 = vector.shape_cast %swap3A_58 : vector<16xf32> to vector<16xf32>
    %swap3A_60 = vector.shape_cast %broadcast_in_dim3A_5 : vector<16xf32> to vector<16xf32>
    tpu.vector_store %arg9[%swap3A_57], %swap3A_60 {strides = array<i32>} : memref<128xf32, #tpu.memory_space<vmem>>, vector<16xf32>,
    %swap3A_61 = arith.constant 112 : index
    %swap3A_62 = tpu.vector_load %arg9[%swap3A_61] {strides = array<i32>} : memref<128xf32, #tpu.memory_space<vmem>>, vector<16xf32>,
    %swap3A_63 = vector.shape_cast %swap3A_62 : vector<16xf32> to vector<16xf32>
    %swap3A_64 = vector.shape_cast %broadcast_in_dim3A_5 : vector<16xf32> to vector<16xf32>
    tpu.vector_store %arg9[%swap3A_61], %swap3A_64 {strides = array<i32>} : memref<128xf32, #tpu.memory_space<vmem>>, vector<16xf32>,
    %mul3A_65 = arith.constant 8 : i32
    %mul3A_66 = arith.muli %add3A, %mul3A_65 : i32
    %mul3A_67 = arith.constant 16 : i32
    %mul3A_68 = arith.muli %mul3A_66, %mul3A_67 : i32
    "tpu.region"() ({
      %run_scoped3A = tpu.sem_alloc : memref<!tpu.dma_semaphore, #tpu.memory_space<semaphore_mem>>
      %dma_start3A_69 = tpu.memref_slice %arg4[%mul3A_68] : memref<4096xf32, #tpu.memory_space<hbm>> -> memref<128xf32, #tpu.memory_space<hbm>>
      %dma_start3A_70 = tpu.memref_slice %arg4[%mul3A_68] : memref<4096xf32, #tpu.memory_space<hbm>> -> memref<128xf32, #tpu.memory_space<hbm>>
      tpu.enqueue_dma source(%arg9 : memref<128xf32, #tpu.memory_space<vmem>>) target(%dma_start3A_70 : memref<128xf32, #tpu.memory_space<hbm>>) target_semaphore(%run_scoped3A : memref<!tpu.dma_semaphore, #tpu.memory_space<semaphore_mem>>)
      %dma_wait3A = tpu.memref_slice %arg4[%mul3A_68] : memref<4096xf32, #tpu.memory_space<hbm>> -> memref<128xf32, #tpu.memory_space<hbm>>
      %dma_wait3A_71 = tpu.memref_slice %arg4[%mul3A_68] : memref<4096xf32, #tpu.memory_space<hbm>> -> memref<128xf32, #tpu.memory_space<hbm>>
      tpu.wait_dma2 semaphore(%run_scoped3A : memref<!tpu.dma_semaphore, #tpu.memory_space<semaphore_mem>>) src(%arg9 : memref<128xf32, #tpu.memory_space<vmem>>) dst(%dma_wait3A_71 : memref<128xf32, #tpu.memory_space<hbm>>)
      tpu.yield
    }) : () -> ()
    return
  }
}

module attributes {stable_mosaic.version = 14 : i64} {
  func.func @_tc_sums_body(%arg0: i32, %arg1: memref<512x512xf32, #tpu.memory_space<vmem>>, %arg2: memref<512x512xi32, #tpu.memory_space<vmem>>, %arg3: memref<40x512xf32, #tpu.memory_space<vmem>>) attributes {dimension_semantics = [#tpu.dimension_semantics<arbitrary>], iteration_bounds = array<i64: 17>, scalar_prefetch = 0 : i64, scratch_operands = 0 : i64, tpu.core_type = #tpu.core_type<tc>, window_params = [{transform_indices = @transform_0, window_bounds = array<i64: 512, 512>}, {transform_indices = @transform_1, window_bounds = array<i64: 512, 512>}, {pipeline_mode = #tpu.pipeline_mode<synchronous>, transform_indices = @transform_2, window_bounds = array<i64: 40, 512>}]} {
    %broadcast_in_dim3A = arith.constant 0.000000e+00 : f32
    %broadcast_in_dim3A_0 = vector.broadcast %broadcast_in_dim3A : f32 to vector<8x512xf32>
    %scan3A = arith.constant 0 : i32
    %scan3A_1 = arith.constant 8 : i32
    %scan3A_2 = arith.addi %scan3A, %scan3A_1 : i32
    %scan3A_3 = arith.constant 1 : i32
    %scan3A_4:5 = scf.for %scan3A_12 = %scan3A to %scan3A_2 step %scan3A_3 iter_args(%scan3A_13 = %broadcast_in_dim3A_0, %scan3A_14 = %broadcast_in_dim3A_0, %scan3A_15 = %broadcast_in_dim3A_0, %scan3A_16 = %broadcast_in_dim3A_0, %scan3A_17 = %broadcast_in_dim3A_0) -> (vector<8x512xf32>, vector<8x512xf32>, vector<8x512xf32>, vector<8x512xf32>, vector<8x512xf32>)  : i32 {
      %mul3A = arith.constant 64 : i32
      %mul3A_18 = arith.muli %scan3A_12, %mul3A : i32
      %get3A = arith.index_cast %mul3A_18 : i32 to index
      %get3A_19 = arith.constant 0 : index
      %get3A_20 = vector.load %arg1[%get3A, %get3A_19] : memref<512x512xf32, #tpu.memory_space<vmem>>, vector<64x512xf32>
      %mul3A_21 = arith.constant 64 : i32
      %mul3A_22 = arith.muli %scan3A_12, %mul3A_21 : i32
      %get3A_23 = arith.index_cast %mul3A_22 : i32 to index
      %get3A_24 = arith.constant 0 : index
      %get3A_25 = vector.load %arg2[%get3A_23, %get3A_24] : memref<512x512xi32, #tpu.memory_space<vmem>>, vector<64x512xi32>
      %convert_element_type3A_26 = arith.sitofp %get3A_25 : vector<64x512xi32> to vector<64x512xf32>
      %mul3A_27 = arith.mulf %get3A_20, %get3A_20 : vector<64x512xf32>
      %mul3A_28 = arith.mulf %get3A_20, %convert_element_type3A_26 : vector<64x512xf32>
      %mul3A_29 = arith.mulf %mul3A_28, %mul3A_28 : vector<64x512xf32>
      %slice3A = vector.extract_strided_slice %convert_element_type3A_26 {offsets = [0, 0], sizes = [8, 512], strides = [1, 1]} : vector<64x512xf32> to vector<8x512xf32>
      %add3A = arith.addf %scan3A_13, %slice3A : vector<8x512xf32>
      %slice3A_30 = vector.extract_strided_slice %mul3A_28 {offsets = [0, 0], sizes = [8, 512], strides = [1, 1]} : vector<64x512xf32> to vector<8x512xf32>
      %add3A_31 = arith.addf %scan3A_14, %slice3A_30 : vector<8x512xf32>
      %slice3A_32 = vector.extract_strided_slice %mul3A_29 {offsets = [0, 0], sizes = [8, 512], strides = [1, 1]} : vector<64x512xf32> to vector<8x512xf32>
      %add3A_33 = arith.addf %scan3A_15, %slice3A_32 : vector<8x512xf32>
      %slice3A_34 = vector.extract_strided_slice %get3A_20 {offsets = [0, 0], sizes = [8, 512], strides = [1, 1]} : vector<64x512xf32> to vector<8x512xf32>
      %add3A_35 = arith.addf %scan3A_16, %slice3A_34 : vector<8x512xf32>
      %slice3A_36 = vector.extract_strided_slice %mul3A_27 {offsets = [0, 0], sizes = [8, 512], strides = [1, 1]} : vector<64x512xf32> to vector<8x512xf32>
      %add3A_37 = arith.addf %scan3A_17, %slice3A_36 : vector<8x512xf32>
      %slice3A_38 = vector.extract_strided_slice %convert_element_type3A_26 {offsets = [8, 0], sizes = [8, 512], strides = [1, 1]} : vector<64x512xf32> to vector<8x512xf32>
      %add3A_39 = arith.addf %add3A, %slice3A_38 : vector<8x512xf32>
      %slice3A_40 = vector.extract_strided_slice %mul3A_28 {offsets = [8, 0], sizes = [8, 512], strides = [1, 1]} : vector<64x512xf32> to vector<8x512xf32>
      %add3A_41 = arith.addf %add3A_31, %slice3A_40 : vector<8x512xf32>
      %slice3A_42 = vector.extract_strided_slice %mul3A_29 {offsets = [8, 0], sizes = [8, 512], strides = [1, 1]} : vector<64x512xf32> to vector<8x512xf32>
      %add3A_43 = arith.addf %add3A_33, %slice3A_42 : vector<8x512xf32>
      %slice3A_44 = vector.extract_strided_slice %get3A_20 {offsets = [8, 0], sizes = [8, 512], strides = [1, 1]} : vector<64x512xf32> to vector<8x512xf32>
      %add3A_45 = arith.addf %add3A_35, %slice3A_44 : vector<8x512xf32>
      %slice3A_46 = vector.extract_strided_slice %mul3A_27 {offsets = [8, 0], sizes = [8, 512], strides = [1, 1]} : vector<64x512xf32> to vector<8x512xf32>
      %add3A_47 = arith.addf %add3A_37, %slice3A_46 : vector<8x512xf32>
      %slice3A_48 = vector.extract_strided_slice %convert_element_type3A_26 {offsets = [16, 0], sizes = [8, 512], strides = [1, 1]} : vector<64x512xf32> to vector<8x512xf32>
      %add3A_49 = arith.addf %add3A_39, %slice3A_48 : vector<8x512xf32>
      %slice3A_50 = vector.extract_strided_slice %mul3A_28 {offsets = [16, 0], sizes = [8, 512], strides = [1, 1]} : vector<64x512xf32> to vector<8x512xf32>
      %add3A_51 = arith.addf %add3A_41, %slice3A_50 : vector<8x512xf32>
      %slice3A_52 = vector.extract_strided_slice %mul3A_29 {offsets = [16, 0], sizes = [8, 512], strides = [1, 1]} : vector<64x512xf32> to vector<8x512xf32>
      %add3A_53 = arith.addf %add3A_43, %slice3A_52 : vector<8x512xf32>
      %slice3A_54 = vector.extract_strided_slice %get3A_20 {offsets = [16, 0], sizes = [8, 512], strides = [1, 1]} : vector<64x512xf32> to vector<8x512xf32>
      %add3A_55 = arith.addf %add3A_45, %slice3A_54 : vector<8x512xf32>
      %slice3A_56 = vector.extract_strided_slice %mul3A_27 {offsets = [16, 0], sizes = [8, 512], strides = [1, 1]} : vector<64x512xf32> to vector<8x512xf32>
      %add3A_57 = arith.addf %add3A_47, %slice3A_56 : vector<8x512xf32>
      %slice3A_58 = vector.extract_strided_slice %convert_element_type3A_26 {offsets = [24, 0], sizes = [8, 512], strides = [1, 1]} : vector<64x512xf32> to vector<8x512xf32>
      %add3A_59 = arith.addf %add3A_49, %slice3A_58 : vector<8x512xf32>
      %slice3A_60 = vector.extract_strided_slice %mul3A_28 {offsets = [24, 0], sizes = [8, 512], strides = [1, 1]} : vector<64x512xf32> to vector<8x512xf32>
      %add3A_61 = arith.addf %add3A_51, %slice3A_60 : vector<8x512xf32>
      %slice3A_62 = vector.extract_strided_slice %mul3A_29 {offsets = [24, 0], sizes = [8, 512], strides = [1, 1]} : vector<64x512xf32> to vector<8x512xf32>
      %add3A_63 = arith.addf %add3A_53, %slice3A_62 : vector<8x512xf32>
      %slice3A_64 = vector.extract_strided_slice %get3A_20 {offsets = [24, 0], sizes = [8, 512], strides = [1, 1]} : vector<64x512xf32> to vector<8x512xf32>
      %add3A_65 = arith.addf %add3A_55, %slice3A_64 : vector<8x512xf32>
      %slice3A_66 = vector.extract_strided_slice %mul3A_27 {offsets = [24, 0], sizes = [8, 512], strides = [1, 1]} : vector<64x512xf32> to vector<8x512xf32>
      %add3A_67 = arith.addf %add3A_57, %slice3A_66 : vector<8x512xf32>
      %slice3A_68 = vector.extract_strided_slice %convert_element_type3A_26 {offsets = [32, 0], sizes = [8, 512], strides = [1, 1]} : vector<64x512xf32> to vector<8x512xf32>
      %add3A_69 = arith.addf %add3A_59, %slice3A_68 : vector<8x512xf32>
      %slice3A_70 = vector.extract_strided_slice %mul3A_28 {offsets = [32, 0], sizes = [8, 512], strides = [1, 1]} : vector<64x512xf32> to vector<8x512xf32>
      %add3A_71 = arith.addf %add3A_61, %slice3A_70 : vector<8x512xf32>
      %slice3A_72 = vector.extract_strided_slice %mul3A_29 {offsets = [32, 0], sizes = [8, 512], strides = [1, 1]} : vector<64x512xf32> to vector<8x512xf32>
      %add3A_73 = arith.addf %add3A_63, %slice3A_72 : vector<8x512xf32>
      %slice3A_74 = vector.extract_strided_slice %get3A_20 {offsets = [32, 0], sizes = [8, 512], strides = [1, 1]} : vector<64x512xf32> to vector<8x512xf32>
      %add3A_75 = arith.addf %add3A_65, %slice3A_74 : vector<8x512xf32>
      %slice3A_76 = vector.extract_strided_slice %mul3A_27 {offsets = [32, 0], sizes = [8, 512], strides = [1, 1]} : vector<64x512xf32> to vector<8x512xf32>
      %add3A_77 = arith.addf %add3A_67, %slice3A_76 : vector<8x512xf32>
      %slice3A_78 = vector.extract_strided_slice %convert_element_type3A_26 {offsets = [40, 0], sizes = [8, 512], strides = [1, 1]} : vector<64x512xf32> to vector<8x512xf32>
      %add3A_79 = arith.addf %add3A_69, %slice3A_78 : vector<8x512xf32>
      %slice3A_80 = vector.extract_strided_slice %mul3A_28 {offsets = [40, 0], sizes = [8, 512], strides = [1, 1]} : vector<64x512xf32> to vector<8x512xf32>
      %add3A_81 = arith.addf %add3A_71, %slice3A_80 : vector<8x512xf32>
      %slice3A_82 = vector.extract_strided_slice %mul3A_29 {offsets = [40, 0], sizes = [8, 512], strides = [1, 1]} : vector<64x512xf32> to vector<8x512xf32>
      %add3A_83 = arith.addf %add3A_73, %slice3A_82 : vector<8x512xf32>
      %slice3A_84 = vector.extract_strided_slice %get3A_20 {offsets = [40, 0], sizes = [8, 512], strides = [1, 1]} : vector<64x512xf32> to vector<8x512xf32>
      %add3A_85 = arith.addf %add3A_75, %slice3A_84 : vector<8x512xf32>
      %slice3A_86 = vector.extract_strided_slice %mul3A_27 {offsets = [40, 0], sizes = [8, 512], strides = [1, 1]} : vector<64x512xf32> to vector<8x512xf32>
      %add3A_87 = arith.addf %add3A_77, %slice3A_86 : vector<8x512xf32>
      %slice3A_88 = vector.extract_strided_slice %convert_element_type3A_26 {offsets = [48, 0], sizes = [8, 512], strides = [1, 1]} : vector<64x512xf32> to vector<8x512xf32>
      %add3A_89 = arith.addf %add3A_79, %slice3A_88 : vector<8x512xf32>
      %slice3A_90 = vector.extract_strided_slice %mul3A_28 {offsets = [48, 0], sizes = [8, 512], strides = [1, 1]} : vector<64x512xf32> to vector<8x512xf32>
      %add3A_91 = arith.addf %add3A_81, %slice3A_90 : vector<8x512xf32>
      %slice3A_92 = vector.extract_strided_slice %mul3A_29 {offsets = [48, 0], sizes = [8, 512], strides = [1, 1]} : vector<64x512xf32> to vector<8x512xf32>
      %add3A_93 = arith.addf %add3A_83, %slice3A_92 : vector<8x512xf32>
      %slice3A_94 = vector.extract_strided_slice %get3A_20 {offsets = [48, 0], sizes = [8, 512], strides = [1, 1]} : vector<64x512xf32> to vector<8x512xf32>
      %add3A_95 = arith.addf %add3A_85, %slice3A_94 : vector<8x512xf32>
      %slice3A_96 = vector.extract_strided_slice %mul3A_27 {offsets = [48, 0], sizes = [8, 512], strides = [1, 1]} : vector<64x512xf32> to vector<8x512xf32>
      %add3A_97 = arith.addf %add3A_87, %slice3A_96 : vector<8x512xf32>
      %slice3A_98 = vector.extract_strided_slice %convert_element_type3A_26 {offsets = [56, 0], sizes = [8, 512], strides = [1, 1]} : vector<64x512xf32> to vector<8x512xf32>
      %add3A_99 = arith.addf %add3A_89, %slice3A_98 : vector<8x512xf32>
      %slice3A_100 = vector.extract_strided_slice %mul3A_28 {offsets = [56, 0], sizes = [8, 512], strides = [1, 1]} : vector<64x512xf32> to vector<8x512xf32>
      %add3A_101 = arith.addf %add3A_91, %slice3A_100 : vector<8x512xf32>
      %slice3A_102 = vector.extract_strided_slice %mul3A_29 {offsets = [56, 0], sizes = [8, 512], strides = [1, 1]} : vector<64x512xf32> to vector<8x512xf32>
      %add3A_103 = arith.addf %add3A_93, %slice3A_102 : vector<8x512xf32>
      %slice3A_104 = vector.extract_strided_slice %get3A_20 {offsets = [56, 0], sizes = [8, 512], strides = [1, 1]} : vector<64x512xf32> to vector<8x512xf32>
      %add3A_105 = arith.addf %add3A_95, %slice3A_104 : vector<8x512xf32>
      %slice3A_106 = vector.extract_strided_slice %mul3A_27 {offsets = [56, 0], sizes = [8, 512], strides = [1, 1]} : vector<64x512xf32> to vector<8x512xf32>
      %add3A_107 = arith.addf %add3A_97, %slice3A_106 : vector<8x512xf32>
      scf.yield %add3A_99, %add3A_101, %add3A_103, %add3A_105, %add3A_107 : vector<8x512xf32>, vector<8x512xf32>, vector<8x512xf32>, vector<8x512xf32>, vector<8x512xf32>
    }
    %scan3A_5 = arith.constant 8 : i32
    %concatenate3A = tpu.concatenate %scan3A_4#0, %scan3A_4#1, %scan3A_4#2, %scan3A_4#3, %scan3A_4#4 in 0 : vector<8x512xf32>, vector<8x512xf32>, vector<8x512xf32>, vector<8x512xf32>, vector<8x512xf32> -> vector<40x512xf32>
    %eq3A = arith.constant 0 : i32
    %eq3A_6 = arith.cmpi eq, %arg0, %eq3A : i32
    %convert_element_type3A = arith.extui %eq3A_6 : i1 to i32
    %cond3A = arith.constant 0 : i32
    %cond3A_7 = arith.cmpi ne, %convert_element_type3A, %cond3A : i32
    scf.if %cond3A_7 {
      %swap3A = arith.constant 0 : index
      %swap3A_12 = arith.constant 0 : index
      %swap3A_13 = vector.load %arg3[%swap3A, %swap3A_12] : memref<40x512xf32, #tpu.memory_space<vmem>>, vector<40x512xf32>
      tpu.vector_store %arg3[%swap3A, %swap3A_12], %concatenate3A {strides = array<i32>} : memref<40x512xf32, #tpu.memory_space<vmem>>, vector<40x512xf32>,
    } else {
    }
    %gt3A = arith.constant 0 : i32
    %gt3A_8 = arith.cmpi sgt, %arg0, %gt3A : i32
    %convert_element_type3A_9 = arith.extui %gt3A_8 : i1 to i32
    %cond3A_10 = arith.constant 0 : i32
    %cond3A_11 = arith.cmpi ne, %convert_element_type3A_9, %cond3A_10 : i32
    scf.if %cond3A_11 {
      %get3A = arith.constant 0 : index
      %get3A_12 = arith.constant 0 : index
      %get3A_13 = vector.load %arg3[%get3A, %get3A_12] : memref<40x512xf32, #tpu.memory_space<vmem>>, vector<40x512xf32>
      %add3A = arith.addf %get3A_13, %concatenate3A : vector<40x512xf32>
      %swap3A = arith.constant 0 : index
      %swap3A_14 = arith.constant 0 : index
      %swap3A_15 = vector.load %arg3[%swap3A, %swap3A_14] : memref<40x512xf32, #tpu.memory_space<vmem>>, vector<40x512xf32>
      tpu.vector_store %arg3[%swap3A, %swap3A_14], %add3A {strides = array<i32>} : memref<40x512xf32, #tpu.memory_space<vmem>>, vector<40x512xf32>,
    } else {
    }
    return
  }
  func.func @transform_0(%arg0: i32) -> (i32, i32) {
    %c0_i32 = arith.constant 0 : i32
    %c0_i32_0 = arith.constant 0 : i32
    return %arg0, %c0_i32 : i32, i32
  }
  func.func @transform_1(%arg0: i32) -> (i32, i32) {
    %c0_i32 = arith.constant 0 : i32
    %c0_i32_0 = arith.constant 0 : i32
    return %arg0, %c0_i32 : i32, i32
  }
  func.func @transform_2(%arg0: i32) -> (i32, i32) {
    %c0_i32 = arith.constant 0 : i32
    %c0_i32_0 = arith.constant 0 : i32
    %c0_i32_1 = arith.constant 0 : i32
    return %c0_i32, %c0_i32_0 : i32, i32
  }
}

module attributes {stable_mosaic.version = 14 : i64} {
  func.func @_loss_body(%arg0: memref<32x128xf32, #tpu.memory_space<vmem>>, %arg1: memref<40x512xf32, #tpu.memory_space<vmem>>, %arg2: memref<1x1xf32, #tpu.memory_space<vmem>>) attributes {dimension_semantics = [], scalar_prefetch = 0 : i64, scratch_operands = 0 : i64, tpu.core_type = #tpu.core_type<tc>} {
    %get3A = arith.constant 0 : index
    %get3A_0 = arith.constant 0 : index
    %get3A_1 = vector.load %arg0[%get3A, %get3A_0] : memref<32x128xf32, #tpu.memory_space<vmem>>, vector<32x128xf32>
    %reduce_sum3A = arith.constant dense<0.000000e+00> : vector<128xf32>
    %reduce_sum3A_2 = vector.multi_reduction <add>, %get3A_1, %reduce_sum3A [0] : vector<32x128xf32> to vector<128xf32>
    %broadcast_in_dim3A = vector.shape_cast %reduce_sum3A_2 : vector<128xf32> to vector<1x128xf32>
    %iota3A = tpu.iota {dimensions = array<i32: 1>} : vector<1x128xi32>
    %jit3A = arith.constant 16 : i32
    %div3A = vector.broadcast %jit3A : i32 to vector<1x128xi32>
    %div3A_3 = arith.divsi %iota3A, %div3A : vector<1x128xi32>
    %sign3A = arith.constant 0 : i32
    %sign3A_4 = vector.broadcast %sign3A : i32 to vector<1x128xi32>
    %sign3A_5 = arith.cmpi sgt, %iota3A, %sign3A_4 : vector<1x128xi32>
    %sign3A_6 = arith.extui %sign3A_5 : vector<1x128xi1> to vector<1x128xi32>
    %sign3A_7 = arith.constant 0 : i32
    %sign3A_8 = vector.broadcast %sign3A_7 : i32 to vector<1x128xi32>
    %sign3A_9 = arith.cmpi slt, %iota3A, %sign3A_8 : vector<1x128xi32>
    %sign3A_10 = arith.extui %sign3A_9 : vector<1x128xi1> to vector<1x128xi32>
    %sign3A_11 = arith.subi %sign3A_6, %sign3A_10 : vector<1x128xi32>
    %sign3A_12 = arith.constant 0 : i32
    %sign3A_13 = arith.cmpi sgt, %jit3A, %sign3A_12 : i32
    %sign3A_14 = arith.extui %sign3A_13 : i1 to i32
    %sign3A_15 = arith.constant 0 : i32
    %sign3A_16 = arith.cmpi slt, %jit3A, %sign3A_15 : i32
    %sign3A_17 = arith.extui %sign3A_16 : i1 to i32
    %sign3A_18 = arith.subi %sign3A_14, %sign3A_17 : i32
    %ne3A = vector.broadcast %sign3A_18 : i32 to vector<1x128xi32>
    %ne3A_19 = arith.cmpi ne, %sign3A_11, %ne3A : vector<1x128xi32>
    %rem3A = vector.broadcast %jit3A : i32 to vector<1x128xi32>
    %rem3A_20 = arith.remsi %iota3A, %rem3A : vector<1x128xi32>
    %ne3A_21 = arith.constant 0 : i32
    %ne3A_22 = vector.broadcast %ne3A_21 : i32 to vector<1x128xi32>
    %ne3A_23 = arith.cmpi ne, %rem3A_20, %ne3A_22 : vector<1x128xi32>
    %and3A = arith.andi %ne3A_19, %ne3A_23 : vector<1x128xi1>
    %sub3A = arith.constant 1 : i32
    %sub3A_24 = vector.broadcast %sub3A : i32 to vector<1x128xi32>
    %sub3A_25 = arith.subi %div3A_3, %sub3A_24 : vector<1x128xi32>
    %select_n3A = arith.select %and3A, %sub3A_25, %div3A_3 : vector<1x128xi1>, vector<1x128xi32>
    %get3A_26 = arith.constant 0 : index
    %get3A_27 = arith.constant 0 : index
    %get3A_28 = vector.load %arg1[%get3A_26, %get3A_27] : memref<40x512xf32, #tpu.memory_space<vmem>>, vector<40x512xf32>
    %iota3A_29 = tpu.iota {dimensions = array<i32: 0>} : vector<40x512xi32>
    %jit3A_30 = arith.constant 8 : i32
    %div3A_31 = vector.broadcast %jit3A_30 : i32 to vector<40x512xi32>
    %div3A_32 = arith.divsi %iota3A_29, %div3A_31 : vector<40x512xi32>
    %sign3A_33 = arith.constant 0 : i32
    %sign3A_34 = vector.broadcast %sign3A_33 : i32 to vector<40x512xi32>
    %sign3A_35 = arith.cmpi sgt, %iota3A_29, %sign3A_34 : vector<40x512xi32>
    %sign3A_36 = arith.extui %sign3A_35 : vector<40x512xi1> to vector<40x512xi32>
    %sign3A_37 = arith.constant 0 : i32
    %sign3A_38 = vector.broadcast %sign3A_37 : i32 to vector<40x512xi32>
    %sign3A_39 = arith.cmpi slt, %iota3A_29, %sign3A_38 : vector<40x512xi32>
    %sign3A_40 = arith.extui %sign3A_39 : vector<40x512xi1> to vector<40x512xi32>
    %sign3A_41 = arith.subi %sign3A_36, %sign3A_40 : vector<40x512xi32>
    %sign3A_42 = arith.constant 0 : i32
    %sign3A_43 = arith.cmpi sgt, %jit3A_30, %sign3A_42 : i32
    %sign3A_44 = arith.extui %sign3A_43 : i1 to i32
    %sign3A_45 = arith.constant 0 : i32
    %sign3A_46 = arith.cmpi slt, %jit3A_30, %sign3A_45 : i32
    %sign3A_47 = arith.extui %sign3A_46 : i1 to i32
    %sign3A_48 = arith.subi %sign3A_44, %sign3A_47 : i32
    %ne3A_49 = vector.broadcast %sign3A_48 : i32 to vector<40x512xi32>
    %ne3A_50 = arith.cmpi ne, %sign3A_41, %ne3A_49 : vector<40x512xi32>
    %rem3A_51 = vector.broadcast %jit3A_30 : i32 to vector<40x512xi32>
    %rem3A_52 = arith.remsi %iota3A_29, %rem3A_51 : vector<40x512xi32>
    %ne3A_53 = arith.constant 0 : i32
    %ne3A_54 = vector.broadcast %ne3A_53 : i32 to vector<40x512xi32>
    %ne3A_55 = arith.cmpi ne, %rem3A_52, %ne3A_54 : vector<40x512xi32>
    %and3A_56 = arith.andi %ne3A_50, %ne3A_55 : vector<40x512xi1>
    %sub3A_57 = arith.constant 1 : i32
    %sub3A_58 = vector.broadcast %sub3A_57 : i32 to vector<40x512xi32>
    %sub3A_59 = arith.subi %div3A_32, %sub3A_58 : vector<40x512xi32>
    %select_n3A_60 = arith.select %and3A_56, %sub3A_59, %div3A_32 : vector<40x512xi1>, vector<40x512xi32>
    %eq3A = arith.constant 0 : i32
    %eq3A_61 = vector.broadcast %eq3A : i32 to vector<1x128xi32>
    %eq3A_62 = arith.cmpi eq, %select_n3A, %eq3A_61 : vector<1x128xi32>
    %jit3A_63 = arith.constant 0.000000e+00 : f32
    %broadcast_in_dim3A_64 = vector.broadcast %jit3A_63 : f32 to vector<1x128xf32>
    %select_n3A_65 = arith.select %eq3A_62, %broadcast_in_dim3A, %broadcast_in_dim3A_64 : vector<1x128xi1>, vector<1x128xf32>
    %reduce_sum3A_66 = vector.shape_cast %select_n3A_65 : vector<1x128xf32> to vector<1x1x128xf32>
    %reduce_sum3A_67 = arith.constant dense<0.000000e+00> : vector<1xf32>
    %reduce_sum3A_68 = vector.multi_reduction <add>, %reduce_sum3A_66, %reduce_sum3A_67 [1, 2] : vector<1x1x128xf32> to vector<1xf32>
    %reduce_sum3A_69 = vector.shape_cast %reduce_sum3A_68 : vector<1xf32> to vector<1x1x1xf32>
    %reduce_sum3A_70 = vector.extract %reduce_sum3A_69[0, 0, 0] : f32 from vector<1x1x1xf32>
    %eq3A_71 = arith.constant 0 : i32
    %eq3A_72 = vector.broadcast %eq3A_71 : i32 to vector<40x512xi32>
    %eq3A_73 = arith.cmpi eq, %select_n3A_60, %eq3A_72 : vector<40x512xi32>
    %jit3A_74 = arith.constant 0.000000e+00 : f32
    %broadcast_in_dim3A_75 = vector.broadcast %jit3A_74 : f32 to vector<40x512xf32>
    %select_n3A_76 = arith.select %eq3A_73, %get3A_28, %broadcast_in_dim3A_75 : vector<40x512xi1>, vector<40x512xf32>
    %reduce_sum3A_77 = vector.shape_cast %select_n3A_76 : vector<40x512xf32> to vector<1x40x512xf32>
    %reduce_sum3A_78 = arith.constant dense<0.000000e+00> : vector<1xf32>
    %reduce_sum3A_79 = vector.multi_reduction <add>, %reduce_sum3A_77, %reduce_sum3A_78 [1, 2] : vector<1x40x512xf32> to vector<1xf32>
    %reduce_sum3A_80 = vector.shape_cast %reduce_sum3A_79 : vector<1xf32> to vector<1x1x1xf32>
    %reduce_sum3A_81 = vector.extract %reduce_sum3A_80[0, 0, 0] : f32 from vector<1x1x1xf32>
    %add3A = arith.addf %reduce_sum3A_70, %reduce_sum3A_81 : f32
    %eq3A_82 = arith.constant 1 : i32
    %eq3A_83 = vector.broadcast %eq3A_82 : i32 to vector<1x128xi32>
    %eq3A_84 = arith.cmpi eq, %select_n3A, %eq3A_83 : vector<1x128xi32>
    %jit3A_85 = arith.constant 0.000000e+00 : f32
    %broadcast_in_dim3A_86 = vector.broadcast %jit3A_85 : f32 to vector<1x128xf32>
    %select_n3A_87 = arith.select %eq3A_84, %broadcast_in_dim3A, %broadcast_in_dim3A_86 : vector<1x128xi1>, vector<1x128xf32>
    %reduce_sum3A_88 = vector.shape_cast %select_n3A_87 : vector<1x128xf32> to vector<1x1x128xf32>
    %reduce_sum3A_89 = arith.constant dense<0.000000e+00> : vector<1xf32>
    %reduce_sum3A_90 = vector.multi_reduction <add>, %reduce_sum3A_88, %reduce_sum3A_89 [1, 2] : vector<1x1x128xf32> to vector<1xf32>
    %reduce_sum3A_91 = vector.shape_cast %reduce_sum3A_90 : vector<1xf32> to vector<1x1x1xf32>
    %reduce_sum3A_92 = vector.extract %reduce_sum3A_91[0, 0, 0] : f32 from vector<1x1x1xf32>
    %eq3A_93 = arith.constant 1 : i32
    %eq3A_94 = vector.broadcast %eq3A_93 : i32 to vector<40x512xi32>
    %eq3A_95 = arith.cmpi eq, %select_n3A_60, %eq3A_94 : vector<40x512xi32>
    %jit3A_96 = arith.constant 0.000000e+00 : f32
    %broadcast_in_dim3A_97 = vector.broadcast %jit3A_96 : f32 to vector<40x512xf32>
    %select_n3A_98 = arith.select %eq3A_95, %get3A_28, %broadcast_in_dim3A_97 : vector<40x512xi1>, vector<40x512xf32>
    %reduce_sum3A_99 = vector.shape_cast %select_n3A_98 : vector<40x512xf32> to vector<1x40x512xf32>
    %reduce_sum3A_100 = arith.constant dense<0.000000e+00> : vector<1xf32>
    %reduce_sum3A_101 = vector.multi_reduction <add>, %reduce_sum3A_99, %reduce_sum3A_100 [1, 2] : vector<1x40x512xf32> to vector<1xf32>
    %reduce_sum3A_102 = vector.shape_cast %reduce_sum3A_101 : vector<1xf32> to vector<1x1x1xf32>
    %reduce_sum3A_103 = vector.extract %reduce_sum3A_102[0, 0, 0] : f32 from vector<1x1x1xf32>
    %add3A_104 = arith.addf %reduce_sum3A_92, %reduce_sum3A_103 : f32
    %eq3A_105 = arith.constant 2 : i32
    %eq3A_106 = vector.broadcast %eq3A_105 : i32 to vector<1x128xi32>
    %eq3A_107 = arith.cmpi eq, %select_n3A, %eq3A_106 : vector<1x128xi32>
    %jit3A_108 = arith.constant 0.000000e+00 : f32
    %broadcast_in_dim3A_109 = vector.broadcast %jit3A_108 : f32 to vector<1x128xf32>
    %select_n3A_110 = arith.select %eq3A_107, %broadcast_in_dim3A, %broadcast_in_dim3A_109 : vector<1x128xi1>, vector<1x128xf32>
    %reduce_sum3A_111 = vector.shape_cast %select_n3A_110 : vector<1x128xf32> to vector<1x1x128xf32>
    %reduce_sum3A_112 = arith.constant dense<0.000000e+00> : vector<1xf32>
    %reduce_sum3A_113 = vector.multi_reduction <add>, %reduce_sum3A_111, %reduce_sum3A_112 [1, 2] : vector<1x1x128xf32> to vector<1xf32>
    %reduce_sum3A_114 = vector.shape_cast %reduce_sum3A_113 : vector<1xf32> to vector<1x1x1xf32>
    %reduce_sum3A_115 = vector.extract %reduce_sum3A_114[0, 0, 0] : f32 from vector<1x1x1xf32>
    %eq3A_116 = arith.constant 2 : i32
    %eq3A_117 = vector.broadcast %eq3A_116 : i32 to vector<40x512xi32>
    %eq3A_118 = arith.cmpi eq, %select_n3A_60, %eq3A_117 : vector<40x512xi32>
    %jit3A_119 = arith.constant 0.000000e+00 : f32
    %broadcast_in_dim3A_120 = vector.broadcast %jit3A_119 : f32 to vector<40x512xf32>
    %select_n3A_121 = arith.select %eq3A_118, %get3A_28, %broadcast_in_dim3A_120 : vector<40x512xi1>, vector<40x512xf32>
    %reduce_sum3A_122 = vector.shape_cast %select_n3A_121 : vector<40x512xf32> to vector<1x40x512xf32>
    %reduce_sum3A_123 = arith.constant dense<0.000000e+00> : vector<1xf32>
    %reduce_sum3A_124 = vector.multi_reduction <add>, %reduce_sum3A_122, %reduce_sum3A_123 [1, 2] : vector<1x40x512xf32> to vector<1xf32>
    %reduce_sum3A_125 = vector.shape_cast %reduce_sum3A_124 : vector<1xf32> to vector<1x1x1xf32>
    %reduce_sum3A_126 = vector.extract %reduce_sum3A_125[0, 0, 0] : f32 from vector<1x1x1xf32>
    %add3A_127 = arith.addf %reduce_sum3A_115, %reduce_sum3A_126 : f32
    %eq3A_128 = arith.constant 3 : i32
    %eq3A_129 = vector.broadcast %eq3A_128 : i32 to vector<1x128xi32>
    %eq3A_130 = arith.cmpi eq, %select_n3A, %eq3A_129 : vector<1x128xi32>
    %jit3A_131 = arith.constant 0.000000e+00 : f32
    %broadcast_in_dim3A_132 = vector.broadcast %jit3A_131 : f32 to vector<1x128xf32>
    %select_n3A_133 = arith.select %eq3A_130, %broadcast_in_dim3A, %broadcast_in_dim3A_132 : vector<1x128xi1>, vector<1x128xf32>
    %reduce_sum3A_134 = vector.shape_cast %select_n3A_133 : vector<1x128xf32> to vector<1x1x128xf32>
    %reduce_sum3A_135 = arith.constant dense<0.000000e+00> : vector<1xf32>
    %reduce_sum3A_136 = vector.multi_reduction <add>, %reduce_sum3A_134, %reduce_sum3A_135 [1, 2] : vector<1x1x128xf32> to vector<1xf32>
    %reduce_sum3A_137 = vector.shape_cast %reduce_sum3A_136 : vector<1xf32> to vector<1x1x1xf32>
    %reduce_sum3A_138 = vector.extract %reduce_sum3A_137[0, 0, 0] : f32 from vector<1x1x1xf32>
    %eq3A_139 = arith.constant 3 : i32
    %eq3A_140 = vector.broadcast %eq3A_139 : i32 to vector<40x512xi32>
    %eq3A_141 = arith.cmpi eq, %select_n3A_60, %eq3A_140 : vector<40x512xi32>
    %jit3A_142 = arith.constant 0.000000e+00 : f32
    %broadcast_in_dim3A_143 = vector.broadcast %jit3A_142 : f32 to vector<40x512xf32>
    %select_n3A_144 = arith.select %eq3A_141, %get3A_28, %broadcast_in_dim3A_143 : vector<40x512xi1>, vector<40x512xf32>
    %reduce_sum3A_145 = vector.shape_cast %select_n3A_144 : vector<40x512xf32> to vector<1x40x512xf32>
    %reduce_sum3A_146 = arith.constant dense<0.000000e+00> : vector<1xf32>
    %reduce_sum3A_147 = vector.multi_reduction <add>, %reduce_sum3A_145, %reduce_sum3A_146 [1, 2] : vector<1x40x512xf32> to vector<1xf32>
    %reduce_sum3A_148 = vector.shape_cast %reduce_sum3A_147 : vector<1xf32> to vector<1x1x1xf32>
    %reduce_sum3A_149 = vector.extract %reduce_sum3A_148[0, 0, 0] : f32 from vector<1x1x1xf32>
    %add3A_150 = arith.addf %reduce_sum3A_138, %reduce_sum3A_149 : f32
    %eq3A_151 = arith.constant 4 : i32
    %eq3A_152 = vector.broadcast %eq3A_151 : i32 to vector<1x128xi32>
    %eq3A_153 = arith.cmpi eq, %select_n3A, %eq3A_152 : vector<1x128xi32>
    %jit3A_154 = arith.constant 0.000000e+00 : f32
    %broadcast_in_dim3A_155 = vector.broadcast %jit3A_154 : f32 to vector<1x128xf32>
    %select_n3A_156 = arith.select %eq3A_153, %broadcast_in_dim3A, %broadcast_in_dim3A_155 : vector<1x128xi1>, vector<1x128xf32>
    %reduce_sum3A_157 = vector.shape_cast %select_n3A_156 : vector<1x128xf32> to vector<1x1x128xf32>
    %reduce_sum3A_158 = arith.constant dense<0.000000e+00> : vector<1xf32>
    %reduce_sum3A_159 = vector.multi_reduction <add>, %reduce_sum3A_157, %reduce_sum3A_158 [1, 2] : vector<1x1x128xf32> to vector<1xf32>
    %reduce_sum3A_160 = vector.shape_cast %reduce_sum3A_159 : vector<1xf32> to vector<1x1x1xf32>
    %reduce_sum3A_161 = vector.extract %reduce_sum3A_160[0, 0, 0] : f32 from vector<1x1x1xf32>
    %eq3A_162 = arith.constant 4 : i32
    %eq3A_163 = vector.broadcast %eq3A_162 : i32 to vector<40x512xi32>
    %eq3A_164 = arith.cmpi eq, %select_n3A_60, %eq3A_163 : vector<40x512xi32>
    %jit3A_165 = arith.constant 0.000000e+00 : f32
    %broadcast_in_dim3A_166 = vector.broadcast %jit3A_165 : f32 to vector<40x512xf32>
    %select_n3A_167 = arith.select %eq3A_164, %get3A_28, %broadcast_in_dim3A_166 : vector<40x512xi1>, vector<40x512xf32>
    %reduce_sum3A_168 = vector.shape_cast %select_n3A_167 : vector<40x512xf32> to vector<1x40x512xf32>
    %reduce_sum3A_169 = arith.constant dense<0.000000e+00> : vector<1xf32>
    %reduce_sum3A_170 = vector.multi_reduction <add>, %reduce_sum3A_168, %reduce_sum3A_169 [1, 2] : vector<1x40x512xf32> to vector<1xf32>
    %reduce_sum3A_171 = vector.shape_cast %reduce_sum3A_170 : vector<1xf32> to vector<1x1x1xf32>
    %reduce_sum3A_172 = vector.extract %reduce_sum3A_171[0, 0, 0] : f32 from vector<1x1x1xf32>
    %add3A_173 = arith.addf %reduce_sum3A_161, %reduce_sum3A_172 : f32
    %sub3A_174 = arith.constant 0x4B000000 : f32
    %sub3A_175 = arith.subf %sub3A_174, %add3A : f32
    %div3A_176 = arith.divf %add3A_104, %add3A : f32
    %sub3A_177 = arith.subf %add3A_150, %add3A_104 : f32
    %div3A_178 = arith.divf %sub3A_177, %sub3A_175 : f32
    %mul3A = arith.mulf %add3A_104, %div3A_176 : f32
    %sub3A_179 = arith.subf %add3A_127, %mul3A : f32
    %sub3A_180 = arith.constant 1.000000e+00 : f32
    %sub3A_181 = arith.subf %add3A, %sub3A_180 : f32
    %div3A_182 = arith.divf %sub3A_179, %sub3A_181 : f32
    %sub3A_183 = arith.subf %add3A_173, %add3A_127 : f32
    %sub3A_184 = arith.subf %add3A_150, %add3A_104 : f32
    %mul3A_185 = arith.mulf %sub3A_184, %div3A_178 : f32
    %sub3A_186 = arith.subf %sub3A_183, %mul3A_185 : f32
    %sub3A_187 = arith.constant 1.000000e+00 : f32
    %sub3A_188 = arith.subf %sub3A_175, %sub3A_187 : f32
    %div3A_189 = arith.divf %sub3A_186, %sub3A_188 : f32
    %sub3A_190 = arith.constant 8.000000e-01 : f32
    %sub3A_191 = arith.subf %sub3A_190, %div3A_176 : f32
    %max3A = arith.constant 0.000000e+00 : f32
    %max3A_192 = arith.maximumf %sub3A_191, %max3A : f32
    %mul3A_193 = arith.constant 1.000000e-01 : f32
    %mul3A_194 = arith.mulf %mul3A_193, %div3A_182 : f32
    %add3A_195 = arith.addf %max3A_192, %mul3A_194 : f32
    %add3A_196 = arith.addf %add3A_195, %div3A_178 : f32
    %mul3A_197 = arith.constant 1.000000e+00 : f32
    %mul3A_198 = arith.mulf %mul3A_197, %div3A_189 : f32
    %add3A_199 = arith.addf %add3A_196, %mul3A_198 : f32
    %broadcast_in_dim3A_200 = vector.broadcast %add3A_199 : f32 to vector<1x1xf32>
    %swap3A = arith.constant 0 : index
    %swap3A_201 = arith.constant 0 : index
    %swap3A_202 = vector.load %arg2[%swap3A, %swap3A_201] : memref<1x1xf32, #tpu.memory_space<vmem>>, vector<1x1xf32>
    tpu.vector_store %arg2[%swap3A, %swap3A_201], %broadcast_in_dim3A_200 {strides = array<i32>} : memref<1x1xf32, #tpu.memory_space<vmem>>, vector<1x1xf32>,
    return
  }
}

</mosaic_0001>

<sc_bundles>
// kernel: kernel.5.cloned.1.call-start
scs
__scs_entry_jumppad:
0x0: {  	(pc) =	sbr.rel $0x88, $3  }
0x1: {  	(tag) =	ssettag $0x0;
	lr =	simm.s32 $0x1  }
0x2: {  	[smem:$0x3F9F] =	sst lr;
	_ =	strace $0xD0000000  }
0x3: {  	_ = 	snop  }
0x4: {  	_ = 	snop  }
0x5: {  	_ = 	snop  }
0x6: {  	_ = 	snop  }
0x7: {  	_ = 	snop  }
__scs_overlays_trampoline_lowered:
0x8: {  	[smem:$0x3FAE] =	sst s0  }
0x9: {  	[smem:$0x3FAF] =	sst s1  }
0xa: {  	[smem:$0x3FB0] =	sst s2  }
0xb: {  	[smem:$0x3FB1] =	sst s3  }
0xc: {  	[smem:$0x3FB2] =	sst s4  }
0xd: {  	[smem:$0x3FB3] =	sst s5  }
0xe: {  	[smem:$0x3FB4] =	sst s6  }
0xf: {  	[smem:$0x3FB5] =	sst s7  }
0x10: {  	[smem:$0x3FB6] =	sst s8  }
0x11: {  	[smem:$0x3FB7] =	sst s9;
	s0 =	simm.s32 @!p0 $0x0  }
0x12: {  	s1 =	sld [smem:$0x3F9D];
	s0 =	simm.s32 @p0 $0x1  }
0x13: {  	[smem:$0x3FB8] =	sst s0;
	s0 =	simm.s32 @!p1 $0x0  }
0x14: {  	s2 =	sld [smem:$0x3F9C];
	s0 =	simm.s32 @p1 $0x1  }
0x15: {  	[smem:$0x3FB9] =	sst s0;
	s0 =	simm.s32 @!p2 $0x0  }
0x16: {  	s3 =	sld [smem:$0x3FDB];
	s0 =	simm.s32 @p2 $0x1  }
0x17: {  	s4 =	simm.s32 $0x1BF5;
	[smem:$0x3FBB] =	sst s0  }
0x18: {  	s0 =	sld [smem:$0x3F9E];
	_ =	swait.ge [sflag:s4], $0x0  }
0x19: {  	s7 =	sld [smem:$0x3F9F]  }
0x1a: {  	s8 =	sadd.s32 $0xFFFFE003, lr  }
0x1b: {  	s9 =	sadd.s32 $0xFFFFFEF7, lr;
	s5 =	simm.s32 $0xFFFFFFFF;
	p2 =	slt.u32 s8, $0xFFFFF086  }
0x1c: {  	p1 =	slt.u32 s9, $0xF7A;
	s5 =	simm.s32 @!p2 $0x0  }
0x1d: {  	s5 =	simm.s32 @p1 $0x1;
	p0 =	seq.s32 s7, s2  }
0x1e: {  	s7 =	smul.u32 @!p0 $0xF7A, s2;
	p2 =	seq.s32 @!p0 s5, $0x0  }
0x1f: {  	s9 =	smul.u32 $0xF7A, s1;
	s8 =	simm.s32 @!p0 $0x1BF5;
	p2 =	por !p2, p0  }
0x20: {  	[sflag:s8] =	ssyncset.s32 @!p0 $0xFFFFF086;
	s6 =	sadd.s32 @!p0 s3, s7;
	s7 =	simm.s32 @!p0 $0x108  }
0x21: {  	s3 =	sadd.s32 s3, s9;
	s6 =	sadd.s32 @!p0 $0x88, s6;
	s7 =	simm.s32 @p2 $0x1082  }
0x22: {  	[simem:s7], [sflag:s8] =	dma.local @!p0 [hbm:s6], $0xF7A  }
0x23: {  	s9 =	sor.u32 $0xD0000000, s2;
	s6 =	simm.s32 $0x108;
	_ =	swait.ge @!p0 [sflag:s8], $0x0  }
0x24: {  	s3 =	sadd.s32 $0x88, s3;
	s6 =	simm.s32 @!p1 $0x1082;
	[sflag:s4] =	ssyncset.s32 $0xFFFFF086  }
0x25: {  	[simem:s6], [sflag:s4] =	dma.local [hbm:s3], $0xF7A  }
0x26: {  	[smem:$0x3F9F] =	sst s1;
	(tag) =	ssettag s2;
	_ =	strace s9  }
0x27: {  	s1 =	sld [smem:$0x3FAF]  }
0x28: {  	s2 =	sld [smem:$0x3FB0]  }
0x29: {  	s4 =	sld [smem:$0x3FB2]  }
0x2a: {  	p0 =	seq.s32 s5, $0x0;
	s5 =	sld [smem:$0x3FB3]  }
0x2b: {  	s6 =	sld [smem:$0x3FB4]  }
0x2c: {  	s7 =	sld [smem:$0x3FB5]  }
0x2d: {  	s3 =	simm.s32 $0x108;
	s8 =	sld [smem:$0x3FB6]  }
0x2e: {  	s3 =	simm.s32 @!p0 $0x1082;
	s9 =	sld [smem:$0x3FB7]  }
0x2f: {  	lr =	sadd.s32 s0, s3;
	s0 =	sld [smem:$0x3FAE]  }
0x30: {  	s3 =	sld [smem:$0x3FB1]  }
0x31: {  	[smem:$0x3FBA] =	sst s10  }
0x32: {  	s10 =	sld [smem:$0x3FB8];
	_ =	sdelay $0x3  }
0x33: {  	p0 =	seq.s32 s10, $0x1;
	s10 =	sld [smem:$0x3FBA];
	_ =	sdelay $0x3  }
0x34: {  	[smem:$0x3FBA] =	sst s10  }
0x35: {  	s10 =	sld [smem:$0x3FB9];
	_ =	sdelay $0x3  }
0x36: {  	p1 =	seq.s32 s10, $0x1;
	s10 =	sld [smem:$0x3FBA];
	_ =	sdelay $0x3  }
0x37: {  	[smem:$0x3FBA] =	sst s10  }
0x38: {  	s10 =	sld [smem:$0x3FBB]  }
0x39: {  	_ = 	snop;
	(pc) =	sbr.ind lr, $3  }
0x3a: {  	_ = 	snop  }
0x3b: {  	_ = 	snop  }
0x3c: {  	p2 =	seq.s32 s10, $0x1;
	s10 =	sld [smem:$0x3FBA]  }
0x3d: {  	_ =	shalt  }
0x3e: {  	_ =	shalt  }
0x3f: {  	_ =	shalt  }
0x40: {  	_ =	shalt  }
0x41: {  	_ =	shalt  }
0x42: {  	_ =	shalt  }
0x43: {  	_ =	shalt  }
0x44: {  	_ =	shalt  }
0x45: {  	_ =	shalt  }
0x46: {  	_ =	shalt  }
0x47: {  	_ =	shalt  }
0x48: {  	_ =	shalt  }
0x49: {  	_ =	shalt  }
0x4a: {  	_ =	shalt  }
0x4b: {  	_ =	shalt  }
0x4c: {  	_ =	shalt  }
0x4d: {  	_ =	shalt  }
0x4e: {  	_ =	shalt  }
0x4f: {  	_ =	shalt  }
0x50: {  	_ =	shalt  }
0x51: {  	_ =	shalt  }
0x52: {  	_ =	shalt  }
0x53: {  	_ =	shalt  }
0x54: {  	_ =	shalt  }
0x55: {  	_ =	shalt  }
0x56: {  	_ =	shalt  }
0x57: {  	_ =	shalt  }
0x58: {  	_ =	shalt  }
0x59: {  	_ =	shalt  }
0x5a: {  	_ =	shalt  }
0x5b: {  	_ =	shalt  }
0x5c: {  	_ =	shalt  }
0x5d: {  	_ =	shalt  }
0x5e: {  	_ =	shalt  }
0x5f: {  	_ =	shalt  }
0x60: {  	_ =	shalt  }
0x61: {  	_ =	shalt  }
0x62: {  	_ =	shalt  }
0x63: {  	_ =	shalt  }
0x64: {  	_ =	shalt  }
0x65: {  	_ =	shalt  }
0x66: {  	_ =	shalt  }
0x67: {  	_ =	shalt  }
0x68: {  	_ =	shalt  }
0x69: {  	_ =	shalt  }
0x6a: {  	_ =	shalt  }
0x6b: {  	_ =	shalt  }
0x6c: {  	_ =	shalt  }
0x6d: {  	_ =	shalt  }
0x6e: {  	_ =	shalt  }
0x6f: {  	_ =	shalt  }
0x70: {  	_ =	shalt  }
0x71: {  	_ =	shalt  }
0x72: {  	_ =	shalt  }
0x73: {  	_ =	shalt  }
0x74: {  	_ =	shalt  }
0x75: {  	_ =	shalt  }
0x76: {  	_ =	shalt  }
0x77: {  	_ =	shalt  }
0x78: {  	_ =	shalt  }
0x79: {  	_ =	shalt  }
0x7a: {  	_ =	shalt  }
0x7b: {  	_ =	shalt  }
0x7c: {  	_ =	shalt  }
0x7d: {  	_ =	shalt  }
0x7e: {  	_ =	shalt  }
0x7f: {  	_ =	shalt  }
0x80: {  	_ =	shalt  }
0x81: {  	_ =	shalt  }
0x82: {  	_ =	shalt  }
0x83: {  	_ =	shalt  }
0x84: {  	_ =	shalt  }
0x85: {  	_ =	shalt  }
0x86: {  	_ =	shalt  }
0x87: {  	_ =	shalt  }
.Lfunc_end0:
.L_simem_size_0:
called_computation_lowered:
.L_overlay_start_0:
0x88: {  	s2 =	sld [smem:$0x3FD9]  }
0x89: {  	s3 =	sld [smem:$0x3FFE];
	_ =	sdelay $0x1  }
0x8a: {  	s1 =	srdreg.scid  }
0x8b: {  	s0 =	sand.u32 $0x1, s1  }
0x8c: {  	s17 =	sshll.u32 s0, $0xA;
	s2 =	sadd.s32 s3, s2  }
0x8d: {  	s2 =	sadd.s32 s2, s17  }
0x8e: {  	[smem:$0x3FC6] =	sst s2  }
0x8f: {  	_ = 	snop  }
0x90: {  	s2 =	sld [smem:$0x3FC9]  }
0x91: {  	s18 =	sld [smem:$0x3FC8];
	(tm) =	ssettm $0x1  }
0x92: {  	s4 =	sld [smem:$0x3FFB];
	_ =	sdelay $0x3  }
0x93: {  	_ =	strace s4  }
0x94: {  	s4 =	sld [smem:$0x3FFC];
	_ =	sdelay $0x3  }
0x95: {  	_ =	strace s4  }
0x96: {  	s4 =	sld [smem:$0x3FFD];
	_ =	sdelay $0x3  }
0x97: {  	_ =	strace s4  }
0x98: {  	_ =	strace $0x8FFFFFFF  }
0x99: {  	s19 =	sld [smem:$0x3FDB];
	_ =	sdelay $0x1  }
0x9a: {  	s5 =	simm.s32 $_scs_section_size  }
0x9b: {  	s6 =	simm.s32 $_size__tile_overlayer_lowered;
	s7 =	simm.s32 $_tile_overlayer_lowered  }
0x9c: {  	s22 =	simm.s32 $0x1BFF;
	s21 =	sshll.u32 s7, $0x1;
	s4 =	sadd.s32 s5, s19  }
0x9d: {  	s8 =	simm.s32 $0x0;
	s20 =	sshll.u32 s6, $0x1;
	s6 =	sadd.s32 s21, s4  }
0x9e: {  	[timem:s8], [sflag:s22] =	dma.local [hbm:s6], s20  }
0x9f: {  	_ =	swait.ge [sflag:s22], s20  }
0xa0: {  	s5 =	ssub.s32 $0x0, s20;
	[sflag:s22] =	ssyncset.done $0x0  }
0xa1: {  	[sflag:s22] =	ssyncadd.s32 s5;
	_ =	sdelay $0x1  }
0xa2: {  	s23 =	simm.s32 $0x1B8B  }
0xa3: {  	_ =	swait.ge [sflag:s23], $0x1  }
0xa4: {  	[sflag:s23] =	ssyncset.done $0x0  }
0xa5: {  	s25 =	simm.s32 $0x1B8E;
	s24 =	sld [smem:$0x3FFE];
	[sflag:s23] =	ssyncadd.s32 $0xFFFFFFFF  }
0xa6: {  	s26 =	simm.s32 $execute0_lowered;
	[smem:$0x3FD2] =	sst s25  }
0xa7: {  	s6 =	sshll.u32 s26, $0x1;
	_ =	strace $0x80000046;
	[dreg:$0x1] =	wrdreg $0xFFFFFFFF  }
0xa8: {  	s28 =	simm.s32 $_size_execute0_lowered;
	s4 =	sadd.s32 s4, s6;
	[dreg:$0x0] =	wrdreg $0x0  }
0xa9: {  	s6 =	sshll.u32 s28, $0x1;
	[dreg:$0x2] =	wrdreg s4  }
0xaa: {  	[dreg:$0x3] =	wrdreg s6  }
0xab: {  	[dreg:$0x4] =	wrdreg $0xC0  }
0xac: {  	_ =	task [dreg:s8], $0x5FFFF  }
0xad: {  	[dreg:$0x1] =	wrdreg $0xFFFFFFFF  }
0xae: {  	[dreg:$0x0] =	wrdreg $0x60  }
0xaf: {  	[dreg:$0x2] =	wrdreg s2  }
0xb0: {  	[dreg:$0x3] =	wrdreg s18  }
0xb1: {  	[dreg:$0x4] =	wrdreg s24  }
0xb2: {  	[dreg:$0x5] =	wrdreg $0x9  }
0xb3: {  	_ =	task.clear_ibuf [dreg:s8], $0x6FFFF;
	_ =	strace $0x90000046  }
0xb4: {  	s29 =	simm.s32 $0x9;
	_ =	strace $0x80000048  }
0xb5: {  	_ =	swait.ge [sflag:s29], $0x1  }
0xb6: {  	[sflag:s29] =	ssyncadd.s32 $0xFFFFFFFF  }
0xb7: {  	_ =	strace $0x90000048  }
0xb8: {  	_ =	sfence  }
0xb9: {  	s30 =	sld [smem:$0x0];
	_ =	sdelay $0x2  }
0xba: {  	s31 =	sshll.u32 s1, $0xD;
	s1 =	sshrl.u32 s1, $0x2  }
0xbb: {  	s3 =	sand.u32 $0x4000, s31;
	s1 =	sadd.s32 s1, s30  }
0xbc: {  	s0 =	sor.u32 s3, s0;
	s1 =	sshll.u32 s1, $0x11  }
0xbd: {  	s0 =	sor.u32 s1, s0  }
0xbe: {  	s0 =	sadd.s32 $0x8F2B, s0  }
0xbf: {  	[sflag:s0] =	ssyncadd.remote.s32 $0x1  }
0xc0: {  	_ =	sfence.sel $0xFFFF  }
0xc1: {  	[dreg:$0x0] =	wrdreg $0xFFFFFFFF;
	(pc) =	sbr.abs _section_cstart, $3  }
0xc2: {  	[dreg:$0x1] =	wrdreg $0xFFFFFFFF  }
0xc3: {  	_ =	task.clear_ibuf [dreg:s8], $0x2FFFF;
	_ =	strace $0x9FFFFFFF  }
0xc4: {  	(tm) =	ssettm $0x7FFFFFFF  }
0xc5: {  	_ =	shalt  }
tec
execute0_lowered:
.L_overlay_start_1:
0x0: {  	(tag) =	ssettag $0x1  }
0x1: {  	s1 =	rddreg [dreg:$0x0]  }
0x2: {  	s3 =	rddreg [dreg:$0x1]  }
0x3: {  	s5 =	rddreg [dreg:$0x2]  }
0x4: {  	s0 =	rddreg [dreg:$0x3];
	s6 =	srdreg.scid  }
0x5: {  	s2 =	stileid.u32;
	s4 =	simm.s32 $0x0;
	s14 =	simm.s32 $0x3000  }
0x6: {  	s15 =	simm.s32 $0x9000;
	s16 =	simm.s32 $0x1;
	s17 =	simm.s32 $0x3  }
0x7: {  	s18 =	simm.s32 $0x2;
	s6 =	sand.u32 $0x1, s6;
	s7 =	sshll.u32 s2, $0x1  }
0x8: {  	s19 =	simm.s32 $0x4;
	s20 =	simm.s32 $0xC000;
	s7 =	sor.u32 s6, s7  }
0x9: {  	s21 =	simm.s32 $0x5;
	s22 =	simm.s32 $0x0;
	s8 =	smul.u32 $0x1E000, s7  }
0xa: {  	[smem:$0x7FF] =	sst s4;
	s6 =	ssub.s32 $0x2, s6;
	s11 =	smul.u32 $0x3C00, s7  }
0xb: {  	s9 =	sshll.u32 s7, $0x4;
	s10 =	sshrl.u32 s6, $0x1;
	s30 =	smul.u32 $0xF0, s7  }
0xc: {  	_ =	strace $0x80000047;
	s12 =	sadd.s32 s9, s5;
	s13 =	ssub.s32 s6, s10  }
0xd: {  	s29 =	sshrl.u32 s8, $0x3;
	s31 =	sadd.s32 $0x88000, s11;
	s9 =	sadd.s32 $0x2230, s30  }
0xe: {  	s10 =	sadd.s32 $0x2248, s30;
	s11 =	sadd.s32 $0x600, s12;
	s12 =	smax.u32 s13, $0x1  }
0xf: {  	s13 =	simm.s32 $0x6000;
	s8 =	sadd.s32 $0x88600, s29;
	s5 =	sadd.s32 s1, s31  }
0x10: {  	v0 =	vimm.f32 $0.0e+00;
	s6 =	sadd.s32 s3, s31;
	s7 =	sadd.s32 s1, s8;
	s8 =	sadd.s32 s3, s8  }
.LBB2_1:
0x11: {  	[tilespmem:s4], [sflag:$0x1] =	stream.linear.gather [hbm4b:s5+s4], $0x3000, $0x38;
	[tilespmem:$0xC080] =	vst v63  }
0x12: {  	_ = 	snop  }
0x13: {  	[tilespmem:s13], [sflag:$0x3] =	stream.linear.gather [hbm4b:s6+s4], $0x3000, $0x38;
	[tilespmem:$0xC080] =	vst v63  }
0x14: {  	_ = 	snop  }
0x15: {  	[tilespmem:s14], [sflag:$0x2] =	stream.linear.gather [hbm4b:s7+s4], $0x3000, $0x38;
	[tilespmem:$0xC080] =	vst v63  }
0x16: {  	v6 =	vimm.f32 $0.0e+00;
	v9 =	vimm.f32 $0.0e+00;
	s23 =	simm.s32 $0x0  }
0x17: {  	v7 =	vimm.f32 $0.0e+00;
	v4 =	vimm.f32 $0.0e+00;
	v8 =	vimm.f32 $0.0e+00;
	[tilespmem:s15], [sflag:$0x4] =	stream.linear.gather [hbm4b:s8+s4], $0x3000, $0x38;
	[tilespmem:$0xC080] =	vst v63  }
.LBB2_2:
0x18: {  	_ =	swait.ge [sflag:s16], $0x3000;
	p0 =	seq.s32 s23, $0x4  }
0x19: {  	[sflag:s16] =	ssyncset.done $0x0;
	s24 =	smul.u32 @!p0 $0x30, s23  }
0x1a: {  	[sflag:s16] =	ssyncadd.s32 $0xFFFFD000  }
0x1b: {  	_ =	swait.ge [sflag:s17], $0x3000;
	s25 =	sadd.s32 @!p0 s24, s9  }
0x1c: {  	[sflag:s17] =	ssyncset.done $0x0;
	s25 =	sshll.u32 @!p0 s25, $0x6  }
0x1d: {  	s28 =	simm.s32 @!p0 $0x0;
	[sflag:s17] =	ssyncadd.s32 $0xFFFFD000;
	s26 =	sadd.s32 @!p0 s1, s25  }
0x1e: {  	[tilespmem:s28], [sflag:$0x1] =	stream.linear.gather @!p0 [hbm4b:s26+s28], $0x3000, $0x38;
	[tilespmem:$0xC080] =	vst v63  }
0x1f: {  	s25 =	sadd.s32 @!p0 s3, s25;
	s26 =	simm.s32 @!p0 $0x6000  }
0x20: {  	[tilespmem:s26], [sflag:$0x3] =	stream.linear.gather @!p0 [hbm4b:s25+s28], $0x3000, $0x38;
	[tilespmem:$0xC080] =	vst v63  }
0x21: {  	s25 =	simm.s32 $0x0;
	s26 =	simm.s32 $0x0;
	s28 =	simm.s32 $0x0  }
.LBB2_3:
0x22: {  	s29 =	sshll.u32 s26, $0x2;
	s30 =	sand.u32 $0x7, s25  }
0x23: {  	s29 =	sand.u32 $0xFFFFC000, s29;
	s30 =	sshll.u32 s30, $0x9  }
0x24: {  	s29 =	sor.u32 s30, s29  }
0x25: {  	s29 =	sshrl.u32 s29, $0x2  }
0x26: {  	s31 =	sor.u32 $0x40, s29  }
0x27: {  	s29 =	sadd.s32 $0x6070, s29;
	v1 =	vmov s31  }
0x28: {  	v2 =	vmov s29;
	_ =	sdelay $0x2  }
0x29: {  	s31 =	simm.s32 $0x0  }
0x2a: {  	v3 =	vld.idx.msk [tilespmem:v1+s31+$0xFFFFFFF0 ss:$0x1], $0xffff  }
0x2b: {  	v5 =	vld.idx.msk [tilespmem:v2+s31+$0xFFFFFFC0 ss:$0x1], $0xffff  }
0x2c: {  	v10 =	vld.idx.msk [tilespmem:v2+s31+$0xFFFFFFA0 ss:$0x1], $0xffff  }
0x2d: {  	v12 =	vld.idx.msk [tilespmem:v1+s31+$0xFFFFFFD0 ss:$0x1], $0xffff  }
0x2e: {  	v16 =	vld.idx.msk [tilespmem:v1+s31+$0xFFFFFFC0 ss:$0x1], $0xffff  }
0x2f: {  	v24 =	vld.idx.msk [tilespmem:v1+s31+$0xFFFFFFE0 ss:$0x1], $0xffff  }
0x30: {  	v13 =	vld.idx.msk [tilespmem:v2+s31+$0xFFFFFF90 ss:$0x1], $0xffff  }
0x31: {  	v21 =	vld.idx.msk [tilespmem:v2+s31+$0xFFFFFFB0 ss:$0x1], $0xffff;
	_ =	sdelay $0x1  }
0x32: {  	v17 =	vcvt.s32.f32 v10;
	v19 =	vmul.f32 v12, v12  }
0x33: {  	v14 =	vcvt.s32.f32 v5;
	v5 =	vmul.f32 v3, v3  }
0x34: {  	v11 =	vmul.f32 v24, v24;
	v23 =	vcvt.s32.f32 v13  }
0x35: {  	v18 =	vld.idx.msk [tilespmem:v2+s31+$0x0 ss:$0x1], $0xffff;
	v20 =	vadd.f32 v16, v9;
	v25 =	vmul.f32 v16, v16;
	v21 =	vcvt.s32.f32 v21  }
0x36: {  	v10 =	vld.idx.msk [tilespmem:v1+s31+$0x20 ss:$0x1], $0xffff;
	v22 =	vmul.f32 v17, v12;
	v15 =	vmul.f32 v14, v3  }
0x37: {  	v9 =	vld.idx.msk [tilespmem:v2+s31+$0xFFFFFFD0 ss:$0x1], $0xffff;
	v26 =	vmul.f32 v17, v19;
	v20 =	vadd.f32 v12, v20;
	v27 =	vmul.f32 v23, v25  }
0x38: {  	v13 =	vld.idx.msk [tilespmem:v1+s31+$0x10 ss:$0x1], $0xffff;
	v8 =	vadd.f32 v23, v8;
	v23 =	vmul.f32 v23, v16;
	v25 =	vadd.f32 v25, v6  }
0x39: {  	v12 =	vmul.f32 v14, v5;
	v16 =	vld.idx.msk [tilespmem:v2+s31+$0xFFFFFFE0 ss:$0x1], $0xffff;
	v27 =	vadd.f32 v27, v7;
	v20 =	vadd.f32 v24, v20  }
0x3a: {  	v6 =	vcvt.s32.f32 v18;
	v18 =	vld.idx.msk [tilespmem:v1+s31+$0x0 ss:$0x1], $0xffff;
	v23 =	vadd.f32 v23, v4;
	v28 =	vadd.f32 v17, v8  }
0x3b: {  	v7 =	vld.idx.msk [tilespmem:v1+s31+$0x30 ss:$0x1], $0xffff;
	v17 =	vadd.f32 v19, v25;
	v24 =	vmul.f32 v21, v24;
	v8 =	vadd.f32 v26, v27  }
0x3c: {  	s29 =	simm.s32 $0x1000;
	v19 =	vld.idx.msk [tilespmem:v2+s31+$0xFFFFFFF0 ss:$0x1], $0xffff;
	v4 =	vmul.f32 v10, v10;
	v22 =	vadd.f32 v22, v23;
	v23 =	vadd.f32 v21, v28  }
.LBB2_4:
0x3d: {  	s30 =	sshra.s32 s29, $0x2;
	p1 =	sne.s32 s29, $0x3000;
	s29 =	sadd.s32 $0x1000, s29;
	v21 =	vmul.f32 v21, v11;
	v20 =	vadd.f32 v3, v20;
	v25 =	vmul.f32 v13, v13  }
0x3e: {  	v3 =	vld.idx.msk [tilespmem:v1+s30+$0xFFFFFFF0 ss:$0x1], $0xffff;
	v22 =	vadd.f32 v24, v22;
	v14 =	vadd.f32 v14, v23;
	v23 =	vcvt.s32.f32 v9  }
0x3f: {  	v16 =	vcvt.s32.f32 v16;
	v26 =	vmul.f32 v18, v18;
	v24 =	vld.idx.msk [tilespmem:v2+s30+$0xFFFFFFC0 ss:$0x1], $0xffff;
	v20 =	vadd.f32 v18, v20  }
0x40: {  	v9 =	vld.idx.msk [tilespmem:v2+s30+$0xFFFFFFD0 ss:$0x1], $0xffff;
	v15 =	vadd.f32 v15, v22;
	v14 =	vadd.f32 v23, v14;
	v18 =	vmul.f32 v23, v18  }
0x41: {  	v27 =	vmul.f32 v7, v7;
	v19 =	vcvt.s32.f32 v19;
	v22 =	vld.idx.msk [tilespmem:v1+s30+$0xFFFFFFD0 ss:$0x1], $0xffff;
	v20 =	vadd.f32 v13, v20  }
0x42: {  	v13 =	vmul.f32 v16, v13;
	v28 =	vld.idx.msk [tilespmem:v2+s30+$0xFFFFFFB0 ss:$0x1], $0xffff;
	v15 =	vadd.f32 v18, v15;
	v14 =	vadd.f32 v16, v14  }
0x43: {  	v11 =	vadd.f32 v11, v17;
	v17 =	vmul.f32 v19, v4;
	v18 =	vld.idx.msk [tilespmem:v2+s30+$0xFFFFFFA0 ss:$0x1], $0xffff;
	v20 =	vadd.f32 v10, v20  }
0x44: {  	v10 =	vmul.f32 v19, v10;
	v29 =	vld.idx.msk [tilespmem:v1+s30+$0xFFFFFFC0 ss:$0x1], $0xffff;
	v13 =	vadd.f32 v13, v15;
	v14 =	vadd.f32 v19, v14  }
0x45: {  	v8 =	vadd.f32 v21, v8;
	v21 =	vmul.f32 v6, v27;
	v19 =	vld.idx.msk [tilespmem:v2+s30+$0xFFFFFF90 ss:$0x1], $0xffff;
	v15 =	vadd.f32 v7, v20  }
0x46: {  	v5 =	vadd.f32 v5, v11;
	v7 =	vmul.f32 v6, v7;
	v30 =	vld.idx.msk [tilespmem:v1+s30+$0xFFFFFFE0 ss:$0x1], $0xffff;
	v10 =	vadd.f32 v10, v13  }
0x47: {  	v11 =	vmul.f32 v23, v26;
	v8 =	vadd.f32 v12, v8;
	v6 =	vadd.f32 v6, v14  }
0x48: {  	v5 =	vadd.f32 v26, v5;
	v23 =	vmul.f32 v22, v22;
	v7 =	vadd.f32 v7, v10  }
0x49: {  	v8 =	vadd.f32 v11, v8;
	v26 =	vcvt.s32.f32 v18;
	v10 =	vmul.f32 v16, v25  }
0x4a: {  	v14 =	vcvt.s32.f32 v24;
	v13 =	vadd.f32 v25, v5;
	v12 =	vadd.f32 v29, v15  }
0x4b: {  	v5 =	vmul.f32 v3, v3;
	v24 =	vmul.f32 v26, v22;
	v8 =	vadd.f32 v10, v8;
	v25 =	vld.idx.msk [tilespmem:v2+s30+$0x0 ss:$0x1], $0xffff  }
0x4c: {  	v4 =	vadd.f32 v4, v13;
	v15 =	vmul.f32 v14, v3;
	v11 =	vmul.f32 v30, v30  }
0x4d: {  	v18 =	vmul.f32 v29, v29;
	v16 =	vcvt.s32.f32 v19;
	v8 =	vadd.f32 v17, v8;
	v10 =	vld.idx.msk [tilespmem:v1+s30+$0x20 ss:$0x1], $0xffff  }
0x4e: {  	v4 =	vadd.f32 v27, v4;
	v19 =	vadd.f32 v22, v12;
	v17 =	vmul.f32 v26, v23  }
0x4f: {  	v12 =	vmul.f32 v14, v5;
	v20 =	vmul.f32 v16, v18;
	v8 =	vadd.f32 v21, v8;
	v13 =	vld.idx.msk [tilespmem:v1+s30+$0x10 ss:$0x1], $0xffff  }
.Ltmp0:
0x50: {  	v22 =	vmul.f32 v16, v29;
	v4 =	vadd.f32 v18, v4;
	v21 =	vadd.f32 v16, v6;
	v16 =	vld.idx.msk [tilespmem:v2+s30+$0xFFFFFFE0 ss:$0x1], $0xffff;
	(pc) =	sbr.rel @p1 .LBB2_4-.Ltmp0, $4  }
0x51: {  	v8 =	vadd.f32 v20, v8;
	v20 =	vadd.f32 v30, v19;
	v6 =	vcvt.s32.f32 v25;
	v18 =	vld.idx.msk [tilespmem:v1+s30+$0x0 ss:$0x1], $0xffff  }
0x52: {  	v22 =	vadd.f32 v22, v7;
	v25 =	vadd.f32 v26, v21;
	v21 =	vcvt.s32.f32 v28;
	v7 =	vld.idx.msk [tilespmem:v1+s30+$0x30 ss:$0x1], $0xffff  }
0x53: {  	v8 =	vadd.f32 v17, v8;
	v17 =	vadd.f32 v23, v4;
	v4 =	vmul.f32 v10, v10;
	v19 =	vld.idx.msk [tilespmem:v2+s30+$0xFFFFFFF0 ss:$0x1], $0xffff  }
0x54: {  	v22 =	vadd.f32 v24, v22;
	v23 =	vadd.f32 v21, v25;
	v24 =	vmul.f32 v21, v30  }
0x55: {  	v2 =	vmul.f32 v21, v11  }
0x56: {  	v1 =	vadd.f32 v3, v20;
	v9 =	vcvt.s32.f32 v9;
	v59 =	vmul.f32 v13, v13  }
0x57: {  	v16 =	vcvt.s32.f32 v16;
	v11 =	vadd.f32 v11, v17;
	v3 =	vadd.f32 v24, v22  }
0x58: {  	v14 =	vadd.f32 v14, v23;
	v60 =	vmul.f32 v18, v18;
	v1 =	vadd.f32 v18, v1  }
0x59: {  	v61 =	vmul.f32 v9, v18;
	v2 =	vadd.f32 v2, v8;
	v5 =	vadd.f32 v5, v11  }
0x5a: {  	v62 =	vmul.f32 v7, v7;
	v3 =	vadd.f32 v15, v3;
	v14 =	vadd.f32 v9, v14  }
0x5b: {  	v63 =	vmul.f32 v16, v13;
	v1 =	vadd.f32 v13, v1;
	v2 =	vadd.f32 v12, v2  }
0x5c: {  	v9 =	vmul.f32 v9, v60;
	v5 =	vadd.f32 v60, v5;
	v3 =	vadd.f32 v61, v3  }
0x5d: {  	v8 =	vcvt.s32.f32 v19;
	v11 =	vadd.f32 v16, v14;
	v1 =	vadd.f32 v10, v1  }
0x5e: {  	s28 =	sadd.s32 $0x1, s28;
	v2 =	vadd.f32 v9, v2;
	v9 =	vmul.f32 v16, v59;
	v5 =	vadd.f32 v59, v5  }
0x5f: {  	p1 =	sne.s32 s28, $0x18;
	v10 =	vmul.f32 v8, v10;
	v3 =	vadd.f32 v63, v3;
	v11 =	vadd.f32 v8, v11  }
.Ltmp1:
0x60: {  	v8 =	vmul.f32 v8, v4;
	v2 =	vadd.f32 v9, v2;
	v9 =	vadd.f32 v7, v1;
	(pc) =	sbr.rel @p1 .LBB2_3-.Ltmp1, $4  }
0x61: {  	v5 =	vadd.f32 v4, v5;
	v1 =	vadd.f32 v10, v3  }
0x62: {  	v3 =	vmul.f32 v6, v7;
	v7 =	vmul.f32 v6, v62;
	v2 =	vadd.f32 v8, v2  }
0x63: {  	v8 =	vadd.f32 v6, v11;
	v6 =	vadd.f32 v62, v5  }
0x64: {  	s26 =	sadd.s32 $0x200, s26;
	s25 =	sadd.s32 $0x1, s25;
	v4 =	vadd.f32 v3, v1;
	v7 =	vadd.f32 v7, v2  }
0x65: {  	_ =	swait.ge [sflag:s18], $0x3000  }
0x66: {  	[sflag:s18] =	ssyncset.done $0x0  }
0x67: {  	[sflag:s18] =	ssyncadd.s32 $0xFFFFD000  }
0x68: {  	s24 =	sadd.s32 @!p0 s24, s10;
	_ =	swait.ge [sflag:s19], $0x3000  }
0x69: {  	s26 =	simm.s32 @!p0 $0x0;
	s24 =	sshll.u32 @!p0 s24, $0x6;
	[sflag:s19] =	ssyncset.done $0x0  }
0x6a: {  	s28 =	simm.s32 @!p0 $0x3000;
	s25 =	sadd.s32 @!p0 s1, s24;
	[sflag:s19] =	ssyncadd.s32 $0xFFFFD000  }
0x6b: {  	[tilespmem:s28], [sflag:$0x2] =	stream.linear.gather @!p0 [hbm4b:s25+s26], $0x3000, $0x38;
	[tilespmem:$0xC080] =	vst v63  }
0x6c: {  	s24 =	sadd.s32 @!p0 s3, s24;
	s25 =	simm.s32 @!p0 $0x9000  }
0x6d: {  	[tilespmem:s25], [sflag:$0x4] =	stream.linear.gather @!p0 [hbm4b:s24+s26], $0x3000, $0x38;
	[tilespmem:$0xC080] =	vst v63  }
0x6e: {  	s24 =	simm.s32 $0x0;
	s25 =	simm.s32 $0x0;
	s26 =	simm.s32 $0x0  }
.LBB2_7:
0x6f: {  	s28 =	sshll.u32 s25, $0x2;
	s29 =	sand.u32 $0x7, s24  }
0x70: {  	s28 =	sand.u32 $0xFFFFC000, s28;
	s29 =	sshll.u32 s29, $0x9  }
0x71: {  	s28 =	sor.u32 s29, s28  }
0x72: {  	s28 =	sshrl.u32 s28, $0x2  }
0x73: {  	s30 =	sadd.s32 $0x3040, s28  }
0x74: {  	s28 =	sadd.s32 $0x9070, s28;
	v1 =	vmov s30  }
0x75: {  	v2 =	vmov s28;
	_ =	sdelay $0x2  }
0x76: {  	s31 =	simm.s32 $0x0  }
0x77: {  	v3 =	vld.idx.msk [tilespmem:v1+s31+$0xFFFFFFF0 ss:$0x1], $0xffff  }
0x78: {  	v5 =	vld.idx.msk [tilespmem:v2+s31+$0xFFFFFFC0 ss:$0x1], $0xffff  }
0x79: {  	v10 =	vld.idx.msk [tilespmem:v2+s31+$0xFFFFFFA0 ss:$0x1], $0xffff  }
0x7a: {  	v12 =	vld.idx.msk [tilespmem:v1+s31+$0xFFFFFFD0 ss:$0x1], $0xffff  }
0x7b: {  	v16 =	vld.idx.msk [tilespmem:v1+s31+$0xFFFFFFC0 ss:$0x1], $0xffff  }
0x7c: {  	v24 =	vld.idx.msk [tilespmem:v1+s31+$0xFFFFFFE0 ss:$0x1], $0xffff  }
0x7d: {  	v13 =	vld.idx.msk [tilespmem:v2+s31+$0xFFFFFF90 ss:$0x1], $0xffff  }
0x7e: {  	v21 =	vld.idx.msk [tilespmem:v2+s31+$0xFFFFFFB0 ss:$0x1], $0xffff;
	_ =	sdelay $0x1  }
0x7f: {  	v17 =	vcvt.s32.f32 v10;
	v19 =	vmul.f32 v12, v12  }
0x80: {  	v14 =	vcvt.s32.f32 v5;
	v5 =	vmul.f32 v3, v3  }
0x81: {  	v11 =	vmul.f32 v24, v24;
	v23 =	vcvt.s32.f32 v13  }
0x82: {  	v18 =	vld.idx.msk [tilespmem:v2+s31+$0x0 ss:$0x1], $0xffff;
	v20 =	vadd.f32 v16, v9;
	v25 =	vmul.f32 v16, v16;
	v21 =	vcvt.s32.f32 v21  }
0x83: {  	v10 =	vld.idx.msk [tilespmem:v1+s31+$0x20 ss:$0x1], $0xffff;
	v22 =	vmul.f32 v17, v12;
	v15 =	vmul.f32 v14, v3  }
0x84: {  	v9 =	vld.idx.msk [tilespmem:v2+s31+$0xFFFFFFD0 ss:$0x1], $0xffff;
	v26 =	vmul.f32 v17, v19;
	v20 =	vadd.f32 v12, v20;
	v27 =	vmul.f32 v23, v25  }
0x85: {  	v13 =	vld.idx.msk [tilespmem:v1+s31+$0x10 ss:$0x1], $0xffff;
	v8 =	vadd.f32 v23, v8;
	v23 =	vmul.f32 v23, v16;
	v25 =	vadd.f32 v25, v6  }
0x86: {  	v12 =	vmul.f32 v14, v5;
	v16 =	vld.idx.msk [tilespmem:v2+s31+$0xFFFFFFE0 ss:$0x1], $0xffff;
	v27 =	vadd.f32 v27, v7;
	v20 =	vadd.f32 v24, v20  }
0x87: {  	v6 =	vcvt.s32.f32 v18;
	v18 =	vld.idx.msk [tilespmem:v1+s31+$0x0 ss:$0x1], $0xffff;
	v23 =	vadd.f32 v23, v4;
	v28 =	vadd.f32 v17, v8  }
0x88: {  	v7 =	vld.idx.msk [tilespmem:v1+s31+$0x30 ss:$0x1], $0xffff;
	v17 =	vadd.f32 v19, v25;
	v24 =	vmul.f32 v21, v24;
	v8 =	vadd.f32 v26, v27  }
0x89: {  	s28 =	simm.s32 $0x1000;
	v19 =	vld.idx.msk [tilespmem:v2+s31+$0xFFFFFFF0 ss:$0x1], $0xffff;
	v4 =	vmul.f32 v10, v10;
	v22 =	vadd.f32 v22, v23;
	v23 =	vadd.f32 v21, v28  }
.LBB2_8:
0x8a: {  	s29 =	sshra.s32 s28, $0x2;
	p0 =	sne.s32 s28, $0x3000;
	s28 =	sadd.s32 $0x1000, s28;
	v21 =	vmul.f32 v21, v11;
	v20 =	vadd.f32 v3, v20;
	v25 =	vmul.f32 v13, v13  }
0x8b: {  	v3 =	vld.idx.msk [tilespmem:v1+s29+$0xFFFFFFF0 ss:$0x1], $0xffff;
	v22 =	vadd.f32 v24, v22;
	v14 =	vadd.f32 v14, v23;
	v23 =	vcvt.s32.f32 v9  }
0x8c: {  	v16 =	vcvt.s32.f32 v16;
	v26 =	vmul.f32 v18, v18;
	v24 =	vld.idx.msk [tilespmem:v2+s29+$0xFFFFFFC0 ss:$0x1], $0xffff;
	v20 =	vadd.f32 v18, v20  }
0x8d: {  	v9 =	vld.idx.msk [tilespmem:v2+s29+$0xFFFFFFD0 ss:$0x1], $0xffff;
	v15 =	vadd.f32 v15, v22;
	v14 =	vadd.f32 v23, v14;
	v18 =	vmul.f32 v23, v18  }
0x8e: {  	v27 =	vmul.f32 v7, v7;
	v19 =	vcvt.s32.f32 v19;
	v22 =	vld.idx.msk [tilespmem:v1+s29+$0xFFFFFFD0 ss:$0x1], $0xffff;
	v20 =	vadd.f32 v13, v20  }
0x8f: {  	v13 =	vmul.f32 v16, v13;
	v28 =	vld.idx.msk [tilespmem:v2+s29+$0xFFFFFFB0 ss:$0x1], $0xffff;
	v15 =	vadd.f32 v18, v15;
	v14 =	vadd.f32 v16, v14  }
0x90: {  	v11 =	vadd.f32 v11, v17;
	v17 =	vmul.f32 v19, v4;
	v18 =	vld.idx.msk [tilespmem:v2+s29+$0xFFFFFFA0 ss:$0x1], $0xffff;
	v20 =	vadd.f32 v10, v20  }
0x91: {  	v10 =	vmul.f32 v19, v10;
	v29 =	vld.idx.msk [tilespmem:v1+s29+$0xFFFFFFC0 ss:$0x1], $0xffff;
	v13 =	vadd.f32 v13, v15;
	v14 =	vadd.f32 v19, v14  }
0x92: {  	v8 =	vadd.f32 v21, v8;
	v21 =	vmul.f32 v6, v27;
	v19 =	vld.idx.msk [tilespmem:v2+s29+$0xFFFFFF90 ss:$0x1], $0xffff;
	v15 =	vadd.f32 v7, v20  }
0x93: {  	v5 =	vadd.f32 v5, v11;
	v7 =	vmul.f32 v6, v7;
	v30 =	vld.idx.msk [tilespmem:v1+s29+$0xFFFFFFE0 ss:$0x1], $0xffff;
	v10 =	vadd.f32 v10, v13  }
0x94: {  	v11 =	vmul.f32 v23, v26;
	v8 =	vadd.f32 v12, v8;
	v6 =	vadd.f32 v6, v14  }
0x95: {  	v5 =	vadd.f32 v26, v5;
	v23 =	vmul.f32 v22, v22;
	v7 =	vadd.f32 v7, v10  }
0x96: {  	v8 =	vadd.f32 v11, v8;
	v26 =	vcvt.s32.f32 v18;
	v10 =	vmul.f32 v16, v25  }
0x97: {  	v14 =	vcvt.s32.f32 v24;
	v13 =	vadd.f32 v25, v5;
	v12 =	vadd.f32 v29, v15  }
0x98: {  	v5 =	vmul.f32 v3, v3;
	v24 =	vmul.f32 v26, v22;
	v8 =	vadd.f32 v10, v8;
	v25 =	vld.idx.msk [tilespmem:v2+s29+$0x0 ss:$0x1], $0xffff  }
0x99: {  	v4 =	vadd.f32 v4, v13;
	v15 =	vmul.f32 v14, v3;
	v11 =	vmul.f32 v30, v30  }
0x9a: {  	v18 =	vmul.f32 v29, v29;
	v16 =	vcvt.s32.f32 v19;
	v8 =	vadd.f32 v17, v8;
	v10 =	vld.idx.msk [tilespmem:v1+s29+$0x20 ss:$0x1], $0xffff  }
0x9b: {  	v4 =	vadd.f32 v27, v4;
	v19 =	vadd.f32 v22, v12;
	v17 =	vmul.f32 v26, v23  }
0x9c: {  	v12 =	vmul.f32 v14, v5;
	v20 =	vmul.f32 v16, v18;
	v8 =	vadd.f32 v21, v8;
	v13 =	vld.idx.msk [tilespmem:v1+s29+$0x10 ss:$0x1], $0xffff  }
.Ltmp2:
0x9d: {  	v22 =	vmul.f32 v16, v29;
	v4 =	vadd.f32 v18, v4;
	v21 =	vadd.f32 v16, v6;
	v16 =	vld.idx.msk [tilespmem:v2+s29+$0xFFFFFFE0 ss:$0x1], $0xffff;
	(pc) =	sbr.rel @p0 .LBB2_8-.Ltmp2, $4  }
0x9e: {  	v8 =	vadd.f32 v20, v8;
	v20 =	vadd.f32 v30, v19;
	v6 =	vcvt.s32.f32 v25;
	v18 =	vld.idx.msk [tilespmem:v1+s29+$0x0 ss:$0x1], $0xffff  }
0x9f: {  	v22 =	vadd.f32 v22, v7;
	v25 =	vadd.f32 v26, v21;
	v21 =	vcvt.s32.f32 v28;
	v7 =	vld.idx.msk [tilespmem:v1+s29+$0x30 ss:$0x1], $0xffff  }
0xa0: {  	v8 =	vadd.f32 v17, v8;
	v17 =	vadd.f32 v23, v4;
	v4 =	vmul.f32 v10, v10;
	v19 =	vld.idx.msk [tilespmem:v2+s29+$0xFFFFFFF0 ss:$0x1], $0xffff  }
0xa1: {  	v22 =	vadd.f32 v24, v22;
	v23 =	vadd.f32 v21, v25;
	v24 =	vmul.f32 v21, v30  }
0xa2: {  	v2 =	vmul.f32 v21, v11  }
0xa3: {  	v1 =	vadd.f32 v3, v20;
	v9 =	vcvt.s32.f32 v9;
	v59 =	vmul.f32 v13, v13  }
0xa4: {  	v16 =	vcvt.s32.f32 v16;
	v11 =	vadd.f32 v11, v17;
	v3 =	vadd.f32 v24, v22  }
0xa5: {  	v14 =	vadd.f32 v14, v23;
	v60 =	vmul.f32 v18, v18;
	v1 =	vadd.f32 v18, v1  }
0xa6: {  	v61 =	vmul.f32 v9, v18;
	v2 =	vadd.f32 v2, v8;
	v5 =	vadd.f32 v5, v11  }
0xa7: {  	v62 =	vmul.f32 v7, v7;
	v3 =	vadd.f32 v15, v3;
	v14 =	vadd.f32 v9, v14  }
0xa8: {  	v63 =	vmul.f32 v16, v13;
	v1 =	vadd.f32 v13, v1;
	v2 =	vadd.f32 v12, v2  }
0xa9: {  	v9 =	vmul.f32 v9, v60;
	v5 =	vadd.f32 v60, v5;
	v3 =	vadd.f32 v61, v3  }
0xaa: {  	v8 =	vcvt.s32.f32 v19;
	v11 =	vadd.f32 v16, v14;
	v1 =	vadd.f32 v10, v1  }
0xab: {  	s26 =	sadd.s32 $0x1, s26;
	v2 =	vadd.f32 v9, v2;
	v9 =	vmul.f32 v16, v59;
	v5 =	vadd.f32 v59, v5  }
0xac: {  	p0 =	sne.s32 s26, $0x18;
	v10 =	vmul.f32 v8, v10;
	v3 =	vadd.f32 v63, v3;
	v11 =	vadd.f32 v8, v11  }
.Ltmp3:
0xad: {  	v8 =	vmul.f32 v8, v4;
	v2 =	vadd.f32 v9, v2;
	v9 =	vadd.f32 v7, v1;
	(pc) =	sbr.rel @p0 .LBB2_7-.Ltmp3, $4  }
0xae: {  	v5 =	vadd.f32 v4, v5;
	v1 =	vadd.f32 v10, v3  }
0xaf: {  	v3 =	vmul.f32 v6, v7;
	v7 =	vmul.f32 v6, v62;
	v2 =	vadd.f32 v8, v2  }
0xb0: {  	v8 =	vadd.f32 v6, v11;
	v6 =	vadd.f32 v62, v5  }
0xb1: {  	s25 =	sadd.s32 $0x200, s25;
	s24 =	sadd.s32 $0x1, s24;
	v4 =	vadd.f32 v3, v1;
	v7 =	vadd.f32 v7, v2  }
0xb2: {  	s23 =	sadd.s32 $0x1, s23  }
0xb3: {  	p0 =	sne.s32 s23, $0x5  }
.Ltmp4:
0xb4: {  	_ = 	snop;
	(pc) =	sbr.rel @p0 .LBB2_2-.Ltmp4, $1  }
0xb5: {  	_ =	sdelay $0x3  }
0xb6: {  	[tilespmem:$0xC000] =	vst v8  }
0xb7: {  	[tilespmem:$0xC010] =	vst v4  }
0xb8: {  	[tilespmem:$0xC020] =	vst v7  }
0xb9: {  	[tilespmem:$0xC030] =	vst v9  }
0xba: {  	[tilespmem:$0xC040] =	vst v6  }
0xbb: {  	[tilespmem:$0xC050] =	vst v0;
	s22 =	sadd.s32 $0x1, s22  }
0xbc: {  	[tilespmem:$0xC060] =	vst v0;
	p0 =	sne.s32 s22, s12  }
.Ltmp5:
0xbd: {  	[tilespmem:$0xC070] =	vst v0;
	(pc) =	sbr.rel @p0 .LBB2_1-.Ltmp5, $4  }
0xbe: {  	[hbm4b:s11+s4] =	stream.linear.scatter [tilespmem:s20], [sflag:$0x5], $0x80, $0x38;
	[tilespmem:$0xC080] =	vst v63  }
0xbf: {  	_ =	swait.ge [sflag:s21], $0x80  }
0xc0: {  	[sflag:s21] =	ssyncset.done $0x0  }
0xc1: {  	[sflag:s21] =	ssyncadd.s32 $0xFFFFFF80  }
0xc2: {  	_ =	sfence.sel $0x180000  }
0xc3: {  	[bflag:$0x0] =	sbarrier.arrive $0xFFFF  }
0xc4: {  	p0 =	sne.s32 s2, $0x0;
	_ =	strace $0x90000047  }
0xc5: {  	s0 =	sadd.s32 @!p0 $0x100000, s0;
	[bflag:$0x2] =	sbarrier.arrive $0xFFFF  }
0xc6: {  	[sflag:s0] =	ssyncadd.tile.s32 @!p0 $0x1;
	_ =	shalt  }
.Lfunc_end2:
_tile_overlayer_lowered:
.L_overlay_start_2:
0xc7: {  	(tag) =	ssettag $0x2  }
0xc8: {  	s0 =	rddreg [dreg:$0x0];
	s2 =	stileid.u32  }
0xc9: {  	s1 =	rddreg [dreg:$0x1];
	p0 =	sne.s32 s2, $0x0  }
0xca: {  	s3 =	rddreg [dreg:$0x2];
	[bflag:$0x3] =	sbarrier.arrive $0xFFFF;
	s2 =	simm.s32 @!p0 $0x1C05  }
0xcb: {  	[timem:s3], [sflag:s2] =	dma.local @!p0 [hbm:s0], s1  }
0xcc: {  	s0 =	simm.s32 @!p0 $0x5  }
0xcd: {  	_ =	swait.ge @!p0 [sflag:s0], s1  }
0xce: {  	s1 =	ssub.s32 @!p0 $0x0, s1;
	[sflag:s0] =	ssyncset.done @!p0 $0x0  }
0xcf: {  	[sflag:s0] =	ssyncadd.s32 @!p0 s1  }
0xd0: {  	[bflag:$0x3] =	sbarrier.arrive $0xFFFF  }
0xd1: {  	_ =	shalt  }

</sc_bundles>
